<compile_context>
chip_gen: v7x
topology: tpu7x:2x2x1
jax: 0.10.2.dev20260603
libtpu: 0.0.44.dev20260713+nightly
codegen_flags: <defaults>
</compile_context>

<pallas_src>
import functools

import jax
import jax.numpy as jnp
from jax import lax
from jax.experimental import pallas as pl
from jax.experimental.pallas import tpu as pltpu
from jax.experimental.pallas import tpu_sc as plsc


_CHUNK = 128
_NBUF = 5


@functools.lru_cache(maxsize=None)
def _make_gather(n, v, d):
    info = plsc.get_sparse_core_info()
    nc, ns = info.num_cores, info.num_subcores
    nw = nc * ns
    assert n % (nw * _CHUNK) == 0
    per_w = n // nw
    nchunks = per_w // _CHUNK
    assert nchunks % _NBUF == 0

    mesh = plsc.VectorSubcoreMesh(core_axis_name="c", subcore_axis_name="s")

    @functools.partial(
        pl.kernel,
        mesh=mesh,
        out_type=jax.ShapeDtypeStruct((n, d), jnp.float32),
        scratch_types=[
            pltpu.VMEM((per_w,), jnp.int32),
            pltpu.VMEM((_NBUF, _CHUNK, d), jnp.float32),
            pltpu.SemaphoreType.DMA((_NBUF,)),
            pltpu.SemaphoreType.DMA((_NBUF,)),
        ],
    )
    def body(x_hbm, w_hbm, out_hbm, idx_v, rows_v, gsem, wsem):
        wid = lax.axis_index("s") * nc + lax.axis_index("c")
        base = wid * per_w

        pltpu.sync_copy(x_hbm.at[pl.ds(base, per_w)], idx_v)

        def start_gather(chunk, b):
            pltpu.async_copy(
                w_hbm.at[idx_v.at[pl.ds(chunk * _CHUNK, _CHUNK)]],
                rows_v.at[b],
                gsem.at[b],
            )

        def wait_gather(b):
            pltpu.make_async_copy(
                w_hbm.at[idx_v.at[pl.ds(0, _CHUNK)]],
                rows_v.at[b],
                gsem.at[b],
            ).wait()

        def start_write(chunk, b):
            pltpu.async_copy(
                rows_v.at[b],
                out_hbm.at[pl.ds(base + chunk * _CHUNK, _CHUNK)],
                wsem.at[b],
            )

        def wait_write(b):
            pltpu.make_async_copy(
                rows_v.at[b],
                out_hbm.at[pl.ds(base, _CHUNK)],
                wsem.at[b],
            ).wait()

        for b in range(_NBUF):
            start_gather(b, b)

        def step(g, carry):
            for b in range(_NBUF):
                chunk = g * _NBUF + b
                wait_gather(b)
                start_write(chunk, b)
                nxt = chunk + _NBUF

                @pl.when(nxt < nchunks)
                def _():
                    wait_write(b)
                    start_gather(nxt, b)

            return carry

        lax.fori_loop(0, nchunks // _NBUF, step, 0)

        for b in range(_NBUF):
            wait_write(b)

    return body


def kernel(x, W):
    b, s = x.shape
    v, d = W.shape
    n = b * s
    out = _make_gather(n, v, d)(x.reshape(n), W)
    return out.reshape(b, s, d)

# --- scband reference (transcript-rebuilt; emitter-appended) ---
"""Pipeline reference for scband-fixed-embedding-with-mask1-9019431321602 (READ-ONLY COPY).

The authoritative reference and input builder live on the scoring server;
editing this copy changes nothing except your own understanding.
"""

import jax, jax.numpy as jnp
import numpy as np

INPUT_DIM = 100000
OUTPUT_DIM = 128
BATCH = 4096
SEQ = 200

def setup_inputs(seed: int = 0) -> dict:
    key = jax.random.key(seed)
    k1, k2 = jax.random.split(key)
    x = jax.random.randint(k1, (BATCH, SEQ), 0, INPUT_DIM, dtype=jnp.int32)
    # Keras 'uniform' init: U(-0.05, 0.05)
    W = jax.random.uniform(k2, (INPUT_DIM, OUTPUT_DIM), dtype=jnp.float32, minval=-0.05, maxval=0.05)
    return {"x": x, "W": W}

def reference(x, W):
    # FixedEmbeddingWithMask1.call with dropout=0.0: out = K.gather(W, x)
    out = jnp.take(W, x, axis=0)
    return out

if __name__ == "__main__":
    import jax
    _d = setup_inputs()
    print(jax.jit(kernel)(*tuple(_d.values())))

</pallas_src>

<mosaic_0001>
#map = affine_map<(d0, d1) -> (0)>
#map1 = affine_map<(d0, d1) -> (0, 0)>
module attributes {stable_mosaic.version = 14 : i64} {
  func.func @body(%arg0: i32, %arg1: i32, %arg2: memref<819200xi32, #tpu.memory_space<hbm>>, %arg3: memref<100000x128xf32, #tpu.memory_space<hbm>>, %arg4: memref<819200x128xf32, #tpu.memory_space<hbm>>, %arg5: memref<25600xi32, #tpu.memory_space<vmem>>, %arg6: memref<5x128x128xf32, #tpu.memory_space<vmem>>, %arg7: memref<5x!tpu.dma_semaphore, #tpu.memory_space<semaphore_mem>>, %arg8: memref<5x!tpu.dma_semaphore, #tpu.memory_space<semaphore_mem>>) attributes {dimension_semantics = [#tpu.dimension_semantics<core_parallel>, #tpu.dimension_semantics<subcore_parallel>], iteration_bounds = array<i64: 2, 16>, scalar_prefetch = 0 : i64, scratch_operands = 4 : i64, tpu.core_type = #tpu.core_type<sc_vector_subcore>, window_params = [{transform_indices = #map}, {transform_indices = #map1}, {transform_indices = #map1}]} {
    %mul3A = arith.constant 2 : i32
    %mul3A_0 = arith.muli %arg1, %mul3A : i32
    %add3A = arith.addi %mul3A_0, %arg0 : i32
    %mul3A_1 = arith.constant 25600 : i32
    %mul3A_2 = arith.muli %add3A, %mul3A_1 : i32
    "tpu.region"() ({
      %run_scoped3A = tpu.sem_alloc : memref<!tpu.dma_semaphore, #tpu.memory_space<semaphore_mem>>
      %dma_start3A_151 = tpu.memref_slice %arg2[%mul3A_2] : memref<819200xi32, #tpu.memory_space<hbm>> -> memref<25600xi32, #tpu.memory_space<hbm>>
      %dma_start3A_152 = tpu.memref_slice %arg2[%mul3A_2] : memref<819200xi32, #tpu.memory_space<hbm>> -> memref<25600xi32, #tpu.memory_space<hbm>>
      tpu.enqueue_dma source(%dma_start3A_152 : memref<25600xi32, #tpu.memory_space<hbm>>) target(%arg5 : memref<25600xi32, #tpu.memory_space<vmem>>) target_semaphore(%run_scoped3A : memref<!tpu.dma_semaphore, #tpu.memory_space<semaphore_mem>>)
      %dma_wait3A_153 = tpu.memref_slice %arg2[%mul3A_2] : memref<819200xi32, #tpu.memory_space<hbm>> -> memref<25600xi32, #tpu.memory_space<hbm>>
      %dma_wait3A_154 = tpu.memref_slice %arg2[%mul3A_2] : memref<819200xi32, #tpu.memory_space<hbm>> -> memref<25600xi32, #tpu.memory_space<hbm>>
      tpu.wait_dma2 semaphore(%run_scoped3A : memref<!tpu.dma_semaphore, #tpu.memory_space<semaphore_mem>>) src(%dma_wait3A_154 : memref<25600xi32, #tpu.memory_space<hbm>>) dst(%arg5 : memref<25600xi32, #tpu.memory_space<vmem>>)
      tpu.yield
    }) : () -> ()
    %dma_start3A = arith.constant 0 : i32
    %dma_start3A_3 = arith.constant 0 : i32
    %dma_start3A_4 = arith.constant 0 : i32
    %dma_start3A_5 = arith.constant 0 : i32
    %dma_start3A_6 = tpu.memref_slice %arg6[%dma_start3A, %dma_start3A_4, %dma_start3A_5] : memref<5x128x128xf32, #tpu.memory_space<vmem>> -> memref<1x128x128xf32, #tpu.memory_space<vmem>>
    %dma_start3A_7 = tpu.memref_squeeze %dma_start3A_6 : memref<1x128x128xf32, #tpu.memory_space<vmem>> -> memref<128x128xf32, #tpu.memory_space<vmem>>
    %dma_start3A_8 = arith.constant 0 : i32
    %dma_start3A_9 = tpu.memref_slice %arg5[%dma_start3A_8] : memref<25600xi32, #tpu.memory_space<vmem>> -> memref<128xi32, #tpu.memory_space<vmem>>
    %dma_start3A_10 = arith.constant 0 : i32
    %dma_start3A_11 = arith.constant 0 : i32
    %dma_start3A_12 = tpu.memref_slice %arg3[%dma_start3A_10, %dma_start3A_11] : memref<100000x128xf32, #tpu.memory_space<hbm>> -> memref<100000x128xf32, #tpu.memory_space<hbm>>
    %dma_start3A_13 = tpu.memref_slice %arg7[%dma_start3A_3] : memref<5x!tpu.dma_semaphore, #tpu.memory_space<semaphore_mem>> -> memref<1x!tpu.dma_semaphore, #tpu.memory_space<semaphore_mem>>
    %dma_start3A_14 = tpu.memref_squeeze %dma_start3A_13 : memref<1x!tpu.dma_semaphore, #tpu.memory_space<semaphore_mem>> -> memref<!tpu.dma_semaphore, #tpu.memory_space<semaphore_mem>>
    tpu.enqueue_indirect_dma source(%dma_start3A_12 : memref<100000x128xf32, #tpu.memory_space<hbm>>) target(%dma_start3A_7 : memref<128x128xf32, #tpu.memory_space<vmem>>) offsets(%dma_start3A_9 : memref<128xi32, #tpu.memory_space<vmem>>) semaphore(%dma_start3A_14 : memref<!tpu.dma_semaphore, #tpu.memory_space<semaphore_mem>>)
    %dma_start3A_15 = arith.constant 1 : i32
    %dma_start3A_16 = arith.constant 1 : i32
    %dma_start3A_17 = arith.constant 0 : i32
    %dma_start3A_18 = arith.constant 0 : i32
    %dma_start3A_19 = tpu.memref_slice %arg6[%dma_start3A_15, %dma_start3A_17, %dma_start3A_18] : memref<5x128x128xf32, #tpu.memory_space<vmem>> -> memref<1x128x128xf32, #tpu.memory_space<vmem>>
    %dma_start3A_20 = tpu.memref_squeeze %dma_start3A_19 : memref<1x128x128xf32, #tpu.memory_space<vmem>> -> memref<128x128xf32, #tpu.memory_space<vmem>>
    %dma_start3A_21 = arith.constant 128 : i32
    %dma_start3A_22 = tpu.memref_slice %arg5[%dma_start3A_21] : memref<25600xi32, #tpu.memory_space<vmem>> -> memref<128xi32, #tpu.memory_space<vmem>>
    %dma_start3A_23 = arith.constant 0 : i32
    %dma_start3A_24 = arith.constant 0 : i32
    %dma_start3A_25 = tpu.memref_slice %arg3[%dma_start3A_23, %dma_start3A_24] : memref<100000x128xf32, #tpu.memory_space<hbm>> -> memref<100000x128xf32, #tpu.memory_space<hbm>>
    %dma_start3A_26 = tpu.memref_slice %arg7[%dma_start3A_16] : memref<5x!tpu.dma_semaphore, #tpu.memory_space<semaphore_mem>> -> memref<1x!tpu.dma_semaphore, #tpu.memory_space<semaphore_mem>>
    %dma_start3A_27 = tpu.memref_squeeze %dma_start3A_26 : memref<1x!tpu.dma_semaphore, #tpu.memory_space<semaphore_mem>> -> memref<!tpu.dma_semaphore, #tpu.memory_space<semaphore_mem>>
    tpu.enqueue_indirect_dma source(%dma_start3A_25 : memref<100000x128xf32, #tpu.memory_space<hbm>>) target(%dma_start3A_20 : memref<128x128xf32, #tpu.memory_space<vmem>>) offsets(%dma_start3A_22 : memref<128xi32, #tpu.memory_space<vmem>>) semaphore(%dma_start3A_27 : memref<!tpu.dma_semaphore, #tpu.memory_space<semaphore_mem>>)
    %dma_start3A_28 = arith.constant 2 : i32
    %dma_start3A_29 = arith.constant 2 : i32
    %dma_start3A_30 = arith.constant 0 : i32
    %dma_start3A_31 = arith.constant 0 : i32
    %dma_start3A_32 = tpu.memref_slice %arg6[%dma_start3A_28, %dma_start3A_30, %dma_start3A_31] : memref<5x128x128xf32, #tpu.memory_space<vmem>> -> memref<1x128x128xf32, #tpu.memory_space<vmem>>
    %dma_start3A_33 = tpu.memref_squeeze %dma_start3A_32 : memref<1x128x128xf32, #tpu.memory_space<vmem>> -> memref<128x128xf32, #tpu.memory_space<vmem>>
    %dma_start3A_34 = arith.constant 256 : i32
    %dma_start3A_35 = tpu.memref_slice %arg5[%dma_start3A_34] : memref<25600xi32, #tpu.memory_space<vmem>> -> memref<128xi32, #tpu.memory_space<vmem>>
    %dma_start3A_36 = arith.constant 0 : i32
    %dma_start3A_37 = arith.constant 0 : i32
    %dma_start3A_38 = tpu.memref_slice %arg3[%dma_start3A_36, %dma_start3A_37] : memref<100000x128xf32, #tpu.memory_space<hbm>> -> memref<100000x128xf32, #tpu.memory_space<hbm>>
    %dma_start3A_39 = tpu.memref_slice %arg7[%dma_start3A_29] : memref<5x!tpu.dma_semaphore, #tpu.memory_space<semaphore_mem>> -> memref<1x!tpu.dma_semaphore, #tpu.memory_space<semaphore_mem>>
    %dma_start3A_40 = tpu.memref_squeeze %dma_start3A_39 : memref<1x!tpu.dma_semaphore, #tpu.memory_space<semaphore_mem>> -> memref<!tpu.dma_semaphore, #tpu.memory_space<semaphore_mem>>
    tpu.enqueue_indirect_dma source(%dma_start3A_38 : memref<100000x128xf32, #tpu.memory_space<hbm>>) target(%dma_start3A_33 : memref<128x128xf32, #tpu.memory_space<vmem>>) offsets(%dma_start3A_35 : memref<128xi32, #tpu.memory_space<vmem>>) semaphore(%dma_start3A_40 : memref<!tpu.dma_semaphore, #tpu.memory_space<semaphore_mem>>)
    %dma_start3A_41 = arith.constant 3 : i32
    %dma_start3A_42 = arith.constant 3 : i32
    %dma_start3A_43 = arith.constant 0 : i32
    %dma_start3A_44 = arith.constant 0 : i32
    %dma_start3A_45 = tpu.memref_slice %arg6[%dma_start3A_41, %dma_start3A_43, %dma_start3A_44] : memref<5x128x128xf32, #tpu.memory_space<vmem>> -> memref<1x128x128xf32, #tpu.memory_space<vmem>>
    %dma_start3A_46 = tpu.memref_squeeze %dma_start3A_45 : memref<1x128x128xf32, #tpu.memory_space<vmem>> -> memref<128x128xf32, #tpu.memory_space<vmem>>
    %dma_start3A_47 = arith.constant 384 : i32
    %dma_start3A_48 = tpu.memref_slice %arg5[%dma_start3A_47] : memref<25600xi32, #tpu.memory_space<vmem>> -> memref<128xi32, #tpu.memory_space<vmem>>
    %dma_start3A_49 = arith.constant 0 : i32
    %dma_start3A_50 = arith.constant 0 : i32
    %dma_start3A_51 = tpu.memref_slice %arg3[%dma_start3A_49, %dma_start3A_50] : memref<100000x128xf32, #tpu.memory_space<hbm>> -> memref<100000x128xf32, #tpu.memory_space<hbm>>
    %dma_start3A_52 = tpu.memref_slice %arg7[%dma_start3A_42] : memref<5x!tpu.dma_semaphore, #tpu.memory_space<semaphore_mem>> -> memref<1x!tpu.dma_semaphore, #tpu.memory_space<semaphore_mem>>
    %dma_start3A_53 = tpu.memref_squeeze %dma_start3A_52 : memref<1x!tpu.dma_semaphore, #tpu.memory_space<semaphore_mem>> -> memref<!tpu.dma_semaphore, #tpu.memory_space<semaphore_mem>>
    tpu.enqueue_indirect_dma source(%dma_start3A_51 : memref<100000x128xf32, #tpu.memory_space<hbm>>) target(%dma_start3A_46 : memref<128x128xf32, #tpu.memory_space<vmem>>) offsets(%dma_start3A_48 : memref<128xi32, #tpu.memory_space<vmem>>) semaphore(%dma_start3A_53 : memref<!tpu.dma_semaphore, #tpu.memory_space<semaphore_mem>>)
    %dma_start3A_54 = arith.constant 4 : i32
    %dma_start3A_55 = arith.constant 4 : i32
    %dma_start3A_56 = arith.constant 0 : i32
    %dma_start3A_57 = arith.constant 0 : i32
    %dma_start3A_58 = tpu.memref_slice %arg6[%dma_start3A_54, %dma_start3A_56, %dma_start3A_57] : memref<5x128x128xf32, #tpu.memory_space<vmem>> -> memref<1x128x128xf32, #tpu.memory_space<vmem>>
    %dma_start3A_59 = tpu.memref_squeeze %dma_start3A_58 : memref<1x128x128xf32, #tpu.memory_space<vmem>> -> memref<128x128xf32, #tpu.memory_space<vmem>>
    %dma_start3A_60 = arith.constant 512 : i32
    %dma_start3A_61 = tpu.memref_slice %arg5[%dma_start3A_60] : memref<25600xi32, #tpu.memory_space<vmem>> -> memref<128xi32, #tpu.memory_space<vmem>>
    %dma_start3A_62 = arith.constant 0 : i32
    %dma_start3A_63 = arith.constant 0 : i32
    %dma_start3A_64 = tpu.memref_slice %arg3[%dma_start3A_62, %dma_start3A_63] : memref<100000x128xf32, #tpu.memory_space<hbm>> -> memref<100000x128xf32, #tpu.memory_space<hbm>>
    %dma_start3A_65 = tpu.memref_slice %arg7[%dma_start3A_55] : memref<5x!tpu.dma_semaphore, #tpu.memory_space<semaphore_mem>> -> memref<1x!tpu.dma_semaphore, #tpu.memory_space<semaphore_mem>>
    %dma_start3A_66 = tpu.memref_squeeze %dma_start3A_65 : memref<1x!tpu.dma_semaphore, #tpu.memory_space<semaphore_mem>> -> memref<!tpu.dma_semaphore, #tpu.memory_space<semaphore_mem>>
    tpu.enqueue_indirect_dma source(%dma_start3A_64 : memref<100000x128xf32, #tpu.memory_space<hbm>>) target(%dma_start3A_59 : memref<128x128xf32, #tpu.memory_space<vmem>>) offsets(%dma_start3A_61 : memref<128xi32, #tpu.memory_space<vmem>>) semaphore(%dma_start3A_66 : memref<!tpu.dma_semaphore, #tpu.memory_space<semaphore_mem>>)
    %scan3A = arith.constant 0 : i32
    %scan3A_67 = arith.constant 0 : i32
    %scan3A_68 = arith.constant 40 : i32
    %scan3A_69 = arith.addi %scan3A_67, %scan3A_68 : i32
    %scan3A_70 = arith.constant 1 : i32
    scf.for %scan3A_151 = %scan3A_67 to %scan3A_69 step %scan3A_70  : i32 {
      %mul3A_152 = arith.constant 5 : i32
      %mul3A_153 = arith.muli %scan3A_151, %mul3A_152 : i32
      %add3A_154 = arith.constant 0 : i32
      %add3A_155 = arith.addi %mul3A_153, %add3A_154 : i32
      %dma_wait3A_156 = arith.constant 0 : i32
      %dma_wait3A_157 = arith.constant 0 : i32
      %dma_wait3A_158 = arith.constant 0 : i32
      %dma_wait3A_159 = arith.constant 0 : i32
      %dma_wait3A_160 = tpu.memref_slice %arg6[%dma_wait3A_156, %dma_wait3A_158, %dma_wait3A_159] : memref<5x128x128xf32, #tpu.memory_space<vmem>> -> memref<1x128x128xf32, #tpu.memory_space<vmem>>
      %dma_wait3A_161 = tpu.memref_squeeze %dma_wait3A_160 : memref<1x128x128xf32, #tpu.memory_space<vmem>> -> memref<128x128xf32, #tpu.memory_space<vmem>>
      %dma_wait3A_162 = arith.constant 0 : i32
      %dma_wait3A_163 = tpu.memref_slice %arg5[%dma_wait3A_162] : memref<25600xi32, #tpu.memory_space<vmem>> -> memref<128xi32, #tpu.memory_space<vmem>>
      %dma_wait3A_164 = arith.constant 0 : i32
      %dma_wait3A_165 = arith.constant 0 : i32
      %dma_wait3A_166 = tpu.memref_slice %arg3[%dma_wait3A_164, %dma_wait3A_165] : memref<100000x128xf32, #tpu.memory_space<hbm>> -> memref<100000x128xf32, #tpu.memory_space<hbm>>
      %dma_wait3A_167 = tpu.memref_slice %arg7[%dma_wait3A_157] : memref<5x!tpu.dma_semaphore, #tpu.memory_space<semaphore_mem>> -> memref<1x!tpu.dma_semaphore, #tpu.memory_space<semaphore_mem>>
      %dma_wait3A_168 = tpu.memref_squeeze %dma_wait3A_167 : memref<1x!tpu.dma_semaphore, #tpu.memory_space<semaphore_mem>> -> memref<!tpu.dma_semaphore, #tpu.memory_space<semaphore_mem>>
      tpu.wait_indirect_dma semaphore(%dma_wait3A_168 : memref<!tpu.dma_semaphore, #tpu.memory_space<semaphore_mem>>) src(%dma_wait3A_166 : memref<100000x128xf32, #tpu.memory_space<hbm>>) dst(%dma_wait3A_161 : memref<128x128xf32, #tpu.memory_space<vmem>>)
      %mul3A_169 = arith.constant 128 : i32
      %mul3A_170 = arith.muli %add3A_155, %mul3A_169 : i32
      %add3A_171 = arith.addi %mul3A_2, %mul3A_170 : i32
      %dma_start3A_172 = arith.constant 0 : i32
      %dma_start3A_173 = arith.constant 0 : i32
      %dma_start3A_174 = arith.constant 0 : i32
      %dma_start3A_175 = arith.constant 0 : i32
      %dma_start3A_176 = tpu.memref_slice %arg6[%dma_start3A_172, %dma_start3A_174, %dma_start3A_175] : memref<5x128x128xf32, #tpu.memory_space<vmem>> -> memref<1x128x128xf32, #tpu.memory_space<vmem>>
      %dma_start3A_177 = tpu.memref_squeeze %dma_start3A_176 : memref<1x128x128xf32, #tpu.memory_space<vmem>> -> memref<128x128xf32, #tpu.memory_space<vmem>>
      %dma_start3A_178 = arith.constant 0 : i32
      %dma_start3A_179 = tpu.memref_slice %arg4[%add3A_171, %dma_start3A_178] : memref<819200x128xf32, #tpu.memory_space<hbm>> -> memref<128x128xf32, #tpu.memory_space<hbm>>
      %dma_start3A_180 = tpu.memref_slice %arg8[%dma_start3A_173] : memref<5x!tpu.dma_semaphore, #tpu.memory_space<semaphore_mem>> -> memref<1x!tpu.dma_semaphore, #tpu.memory_space<semaphore_mem>>
      %dma_start3A_181 = tpu.memref_squeeze %dma_start3A_180 : memref<1x!tpu.dma_semaphore, #tpu.memory_space<semaphore_mem>> -> memref<!tpu.dma_semaphore, #tpu.memory_space<semaphore_mem>>
      %dma_start3A_182 = arith.constant 0 : i32
      %dma_start3A_183 = tpu.memref_slice %arg4[%add3A_171, %dma_start3A_182] : memref<819200x128xf32, #tpu.memory_space<hbm>> -> memref<128x128xf32, #tpu.memory_space<hbm>>
      %dma_start3A_184 = arith.constant 0 : i32
      %dma_start3A_185 = arith.constant 0 : i32
      %dma_start3A_186 = tpu.memref_slice %arg6[%dma_start3A_172, %dma_start3A_184, %dma_start3A_185] : memref<5x128x128xf32, #tpu.memory_space<vmem>> -> memref<1x128x128xf32, #tpu.memory_space<vmem>>
      %dma_start3A_187 = tpu.memref_squeeze %dma_start3A_186 : memref<1x128x128xf32, #tpu.memory_space<vmem>> -> memref<128x128xf32, #tpu.memory_space<vmem>>
      tpu.enqueue_dma source(%dma_start3A_187 : memref<128x128xf32, #tpu.memory_space<vmem>>) target(%dma_start3A_183 : memref<128x128xf32, #tpu.memory_space<hbm>>) target_semaphore(%dma_start3A_181 : memref<!tpu.dma_semaphore, #tpu.memory_space<semaphore_mem>>)
      %add3A_188 = arith.constant 5 : i32
      %add3A_189 = arith.addi %add3A_155, %add3A_188 : i32
      %lt3A = arith.constant 200 : i32
      %lt3A_190 = arith.cmpi slt, %add3A_189, %lt3A : i32
      %convert_element_type3A = arith.extui %lt3A_190 : i1 to i32
      %cond3A = arith.constant 0 : i32
      %cond3A_191 = arith.cmpi ne, %convert_element_type3A, %cond3A : i32
      scf.if %cond3A_191 {
        %dma_wait3A_364 = arith.constant 0 : i32
        %dma_wait3A_365 = arith.constant 0 : i32
        %dma_wait3A_366 = arith.constant 0 : i32
        %dma_wait3A_367 = arith.constant 0 : i32
        %dma_wait3A_368 = tpu.memref_slice %arg6[%dma_wait3A_364, %dma_wait3A_366, %dma_wait3A_367] : memref<5x128x128xf32, #tpu.memory_space<vmem>> -> memref<1x128x128xf32, #tpu.memory_space<vmem>>
        %dma_wait3A_369 = tpu.memref_squeeze %dma_wait3A_368 : memref<1x128x128xf32, #tpu.memory_space<vmem>> -> memref<128x128xf32, #tpu.memory_space<vmem>>
        %dma_wait3A_370 = arith.constant 0 : i32
        %dma_wait3A_371 = tpu.memref_slice %arg4[%mul3A_2, %dma_wait3A_370] : memref<819200x128xf32, #tpu.memory_space<hbm>> -> memref<128x128xf32, #tpu.memory_space<hbm>>
        %dma_wait3A_372 = tpu.memref_slice %arg8[%dma_wait3A_365] : memref<5x!tpu.dma_semaphore, #tpu.memory_space<semaphore_mem>> -> memref<1x!tpu.dma_semaphore, #tpu.memory_space<semaphore_mem>>
        %dma_wait3A_373 = tpu.memref_squeeze %dma_wait3A_372 : memref<1x!tpu.dma_semaphore, #tpu.memory_space<semaphore_mem>> -> memref<!tpu.dma_semaphore, #tpu.memory_space<semaphore_mem>>
        %dma_wait3A_374 = arith.constant 0 : i32
        %dma_wait3A_375 = tpu.memref_slice %arg4[%mul3A_2, %dma_wait3A_374] : memref<819200x128xf32, #tpu.memory_space<hbm>> -> memref<128x128xf32, #tpu.memory_space<hbm>>
        %dma_wait3A_376 = arith.constant 0 : i32
        %dma_wait3A_377 = arith.constant 0 : i32
        %dma_wait3A_378 = tpu.memref_slice %arg6[%dma_wait3A_364, %dma_wait3A_376, %dma_wait3A_377] : memref<5x128x128xf32, #tpu.memory_space<vmem>> -> memref<1x128x128xf32, #tpu.memory_space<vmem>>
        %dma_wait3A_379 = tpu.memref_squeeze %dma_wait3A_378 : memref<1x128x128xf32, #tpu.memory_space<vmem>> -> memref<128x128xf32, #tpu.memory_space<vmem>>
        tpu.wait_dma2 semaphore(%dma_wait3A_373 : memref<!tpu.dma_semaphore, #tpu.memory_space<semaphore_mem>>) src(%dma_wait3A_379 : memref<128x128xf32, #tpu.memory_space<vmem>>) dst(%dma_wait3A_375 : memref<128x128xf32, #tpu.memory_space<hbm>>)
        %mul3A_380 = arith.constant 128 : i32
        %mul3A_381 = arith.muli %add3A_189, %mul3A_380 : i32
        %dma_start3A_382 = arith.constant 0 : i32
        %dma_start3A_383 = arith.constant 0 : i32
        %dma_start3A_384 = arith.constant 0 : i32
        %dma_start3A_385 = arith.constant 0 : i32
        %dma_start3A_386 = tpu.memref_slice %arg6[%dma_start3A_382, %dma_start3A_384, %dma_start3A_385] : memref<5x128x128xf32, #tpu.memory_space<vmem>> -> memref<1x128x128xf32, #tpu.memory_space<vmem>>
        %dma_start3A_387 = tpu.memref_squeeze %dma_start3A_386 : memref<1x128x128xf32, #tpu.memory_space<vmem>> -> memref<128x128xf32, #tpu.memory_space<vmem>>
        %dma_start3A_388 = tpu.memref_slice %arg5[%mul3A_381] : memref<25600xi32, #tpu.memory_space<vmem>> -> memref<128xi32, #tpu.memory_space<vmem>>
        %dma_start3A_389 = arith.constant 0 : i32
        %dma_start3A_390 = arith.constant 0 : i32
        %dma_start3A_391 = tpu.memref_slice %arg3[%dma_start3A_389, %dma_start3A_390] : memref<100000x128xf32, #tpu.memory_space<hbm>> -> memref<100000x128xf32, #tpu.memory_space<hbm>>
        %dma_start3A_392 = tpu.memref_slice %arg7[%dma_start3A_383] : memref<5x!tpu.dma_semaphore, #tpu.memory_space<semaphore_mem>> -> memref<1x!tpu.dma_semaphore, #tpu.memory_space<semaphore_mem>>
        %dma_start3A_393 = tpu.memref_squeeze %dma_start3A_392 : memref<1x!tpu.dma_semaphore, #tpu.memory_space<semaphore_mem>> -> memref<!tpu.dma_semaphore, #tpu.memory_space<semaphore_mem>>
        tpu.enqueue_indirect_dma source(%dma_start3A_391 : memref<100000x128xf32, #tpu.memory_space<hbm>>) target(%dma_start3A_387 : memref<128x128xf32, #tpu.memory_space<vmem>>) offsets(%dma_start3A_388 : memref<128xi32, #tpu.memory_space<vmem>>) semaphore(%dma_start3A_393 : memref<!tpu.dma_semaphore, #tpu.memory_space<semaphore_mem>>)
      } else {
      }
      %mul3A_192 = arith.constant 5 : i32
      %mul3A_193 = arith.muli %scan3A_151, %mul3A_192 : i32
      %add3A_194 = arith.constant 1 : i32
      %add3A_195 = arith.addi %mul3A_193, %add3A_194 : i32
      %dma_wait3A_196 = arith.constant 1 : i32
      %dma_wait3A_197 = arith.constant 1 : i32
      %dma_wait3A_198 = arith.constant 0 : i32
      %dma_wait3A_199 = arith.constant 0 : i32
      %dma_wait3A_200 = tpu.memref_slice %arg6[%dma_wait3A_196, %dma_wait3A_198, %dma_wait3A_199] : memref<5x128x128xf32, #tpu.memory_space<vmem>> -> memref<1x128x128xf32, #tpu.memory_space<vmem>>
      %dma_wait3A_201 = tpu.memref_squeeze %dma_wait3A_200 : memref<1x128x128xf32, #tpu.memory_space<vmem>> -> memref<128x128xf32, #tpu.memory_space<vmem>>
      %dma_wait3A_202 = arith.constant 0 : i32
      %dma_wait3A_203 = tpu.memref_slice %arg5[%dma_wait3A_202] : memref<25600xi32, #tpu.memory_space<vmem>> -> memref<128xi32, #tpu.memory_space<vmem>>
      %dma_wait3A_204 = arith.constant 0 : i32
      %dma_wait3A_205 = arith.constant 0 : i32
      %dma_wait3A_206 = tpu.memref_slice %arg3[%dma_wait3A_204, %dma_wait3A_205] : memref<100000x128xf32, #tpu.memory_space<hbm>> -> memref<100000x128xf32, #tpu.memory_space<hbm>>
      %dma_wait3A_207 = tpu.memref_slice %arg7[%dma_wait3A_197] : memref<5x!tpu.dma_semaphore, #tpu.memory_space<semaphore_mem>> -> memref<1x!tpu.dma_semaphore, #tpu.memory_space<semaphore_mem>>
      %dma_wait3A_208 = tpu.memref_squeeze %dma_wait3A_207 : memref<1x!tpu.dma_semaphore, #tpu.memory_space<semaphore_mem>> -> memref<!tpu.dma_semaphore, #tpu.memory_space<semaphore_mem>>
      tpu.wait_indirect_dma semaphore(%dma_wait3A_208 : memref<!tpu.dma_semaphore, #tpu.memory_space<semaphore_mem>>) src(%dma_wait3A_206 : memref<100000x128xf32, #tpu.memory_space<hbm>>) dst(%dma_wait3A_201 : memref<128x128xf32, #tpu.memory_space<vmem>>)
      %mul3A_209 = arith.constant 128 : i32
      %mul3A_210 = arith.muli %add3A_195, %mul3A_209 : i32
      %add3A_211 = arith.addi %mul3A_2, %mul3A_210 : i32
      %dma_start3A_212 = arith.constant 1 : i32
      %dma_start3A_213 = arith.constant 1 : i32
      %dma_start3A_214 = arith.constant 0 : i32
      %dma_start3A_215 = arith.constant 0 : i32
      %dma_start3A_216 = tpu.memref_slice %arg6[%dma_start3A_212, %dma_start3A_214, %dma_start3A_215] : memref<5x128x128xf32, #tpu.memory_space<vmem>> -> memref<1x128x128xf32, #tpu.memory_space<vmem>>
      %dma_start3A_217 = tpu.memref_squeeze %dma_start3A_216 : memref<1x128x128xf32, #tpu.memory_space<vmem>> -> memref<128x128xf32, #tpu.memory_space<vmem>>
      %dma_start3A_218 = arith.constant 0 : i32
      %dma_start3A_219 = tpu.memref_slice %arg4[%add3A_211, %dma_start3A_218] : memref<819200x128xf32, #tpu.memory_space<hbm>> -> memref<128x128xf32, #tpu.memory_space<hbm>>
      %dma_start3A_220 = tpu.memref_slice %arg8[%dma_start3A_213] : memref<5x!tpu.dma_semaphore, #tpu.memory_space<semaphore_mem>> -> memref<1x!tpu.dma_semaphore, #tpu.memory_space<semaphore_mem>>
      %dma_start3A_221 = tpu.memref_squeeze %dma_start3A_220 : memref<1x!tpu.dma_semaphore, #tpu.memory_space<semaphore_mem>> -> memref<!tpu.dma_semaphore, #tpu.memory_space<semaphore_mem>>
      %dma_start3A_222 = arith.constant 0 : i32
      %dma_start3A_223 = tpu.memref_slice %arg4[%add3A_211, %dma_start3A_222] : memref<819200x128xf32, #tpu.memory_space<hbm>> -> memref<128x128xf32, #tpu.memory_space<hbm>>
      %dma_start3A_224 = arith.constant 0 : i32
      %dma_start3A_225 = arith.constant 0 : i32
      %dma_start3A_226 = tpu.memref_slice %arg6[%dma_start3A_212, %dma_start3A_224, %dma_start3A_225] : memref<5x128x128xf32, #tpu.memory_space<vmem>> -> memref<1x128x128xf32, #tpu.memory_space<vmem>>
      %dma_start3A_227 = tpu.memref_squeeze %dma_start3A_226 : memref<1x128x128xf32, #tpu.memory_space<vmem>> -> memref<128x128xf32, #tpu.memory_space<vmem>>
      tpu.enqueue_dma source(%dma_start3A_227 : memref<128x128xf32, #tpu.memory_space<vmem>>) target(%dma_start3A_223 : memref<128x128xf32, #tpu.memory_space<hbm>>) target_semaphore(%dma_start3A_221 : memref<!tpu.dma_semaphore, #tpu.memory_space<semaphore_mem>>)
      %add3A_228 = arith.constant 5 : i32
      %add3A_229 = arith.addi %add3A_195, %add3A_228 : i32
      %lt3A_230 = arith.constant 200 : i32
      %lt3A_231 = arith.cmpi slt, %add3A_229, %lt3A_230 : i32
      %convert_element_type3A_232 = arith.extui %lt3A_231 : i1 to i32
      %cond3A_233 = arith.constant 0 : i32
      %cond3A_234 = arith.cmpi ne, %convert_element_type3A_232, %cond3A_233 : i32
      scf.if %cond3A_234 {
        %dma_wait3A_364 = arith.constant 1 : i32
        %dma_wait3A_365 = arith.constant 1 : i32
        %dma_wait3A_366 = arith.constant 0 : i32
        %dma_wait3A_367 = arith.constant 0 : i32
        %dma_wait3A_368 = tpu.memref_slice %arg6[%dma_wait3A_364, %dma_wait3A_366, %dma_wait3A_367] : memref<5x128x128xf32, #tpu.memory_space<vmem>> -> memref<1x128x128xf32, #tpu.memory_space<vmem>>
        %dma_wait3A_369 = tpu.memref_squeeze %dma_wait3A_368 : memref<1x128x128xf32, #tpu.memory_space<vmem>> -> memref<128x128xf32, #tpu.memory_space<vmem>>
        %dma_wait3A_370 = arith.constant 0 : i32
        %dma_wait3A_371 = tpu.memref_slice %arg4[%mul3A_2, %dma_wait3A_370] : memref<819200x128xf32, #tpu.memory_space<hbm>> -> memref<128x128xf32, #tpu.memory_space<hbm>>
        %dma_wait3A_372 = tpu.memref_slice %arg8[%dma_wait3A_365] : memref<5x!tpu.dma_semaphore, #tpu.memory_space<semaphore_mem>> -> memref<1x!tpu.dma_semaphore, #tpu.memory_space<semaphore_mem>>
        %dma_wait3A_373 = tpu.memref_squeeze %dma_wait3A_372 : memref<1x!tpu.dma_semaphore, #tpu.memory_space<semaphore_mem>> -> memref<!tpu.dma_semaphore, #tpu.memory_space<semaphore_mem>>
        %dma_wait3A_374 = arith.constant 0 : i32
        %dma_wait3A_375 = tpu.memref_slice %arg4[%mul3A_2, %dma_wait3A_374] : memref<819200x128xf32, #tpu.memory_space<hbm>> -> memref<128x128xf32, #tpu.memory_space<hbm>>
        %dma_wait3A_376 = arith.constant 0 : i32
        %dma_wait3A_377 = arith.constant 0 : i32
        %dma_wait3A_378 = tpu.memref_slice %arg6[%dma_wait3A_364, %dma_wait3A_376, %dma_wait3A_377] : memref<5x128x128xf32, #tpu.memory_space<vmem>> -> memref<1x128x128xf32, #tpu.memory_space<vmem>>
        %dma_wait3A_379 = tpu.memref_squeeze %dma_wait3A_378 : memref<1x128x128xf32, #tpu.memory_space<vmem>> -> memref<128x128xf32, #tpu.memory_space<vmem>>
        tpu.wait_dma2 semaphore(%dma_wait3A_373 : memref<!tpu.dma_semaphore, #tpu.memory_space<semaphore_mem>>) src(%dma_wait3A_379 : memref<128x128xf32, #tpu.memory_space<vmem>>) dst(%dma_wait3A_375 : memref<128x128xf32, #tpu.memory_space<hbm>>)
        %mul3A_380 = arith.constant 128 : i32
        %mul3A_381 = arith.muli %add3A_229, %mul3A_380 : i32
        %dma_start3A_382 = arith.constant 1 : i32
        %dma_start3A_383 = arith.constant 1 : i32
        %dma_start3A_384 = arith.constant 0 : i32
        %dma_start3A_385 = arith.constant 0 : i32
        %dma_start3A_386 = tpu.memref_slice %arg6[%dma_start3A_382, %dma_start3A_384, %dma_start3A_385] : memref<5x128x128xf32, #tpu.memory_space<vmem>> -> memref<1x128x128xf32, #tpu.memory_space<vmem>>
        %dma_start3A_387 = tpu.memref_squeeze %dma_start3A_386 : memref<1x128x128xf32, #tpu.memory_space<vmem>> -> memref<128x128xf32, #tpu.memory_space<vmem>>
        %dma_start3A_388 = tpu.memref_slice %arg5[%mul3A_381] : memref<25600xi32, #tpu.memory_space<vmem>> -> memref<128xi32, #tpu.memory_space<vmem>>
        %dma_start3A_389 = arith.constant 0 : i32
        %dma_start3A_390 = arith.constant 0 : i32
        %dma_start3A_391 = tpu.memref_slice %arg3[%dma_start3A_389, %dma_start3A_390] : memref<100000x128xf32, #tpu.memory_space<hbm>> -> memref<100000x128xf32, #tpu.memory_space<hbm>>
        %dma_start3A_392 = tpu.memref_slice %arg7[%dma_start3A_383] : memref<5x!tpu.dma_semaphore, #tpu.memory_space<semaphore_mem>> -> memref<1x!tpu.dma_semaphore, #tpu.memory_space<semaphore_mem>>
        %dma_start3A_393 = tpu.memref_squeeze %dma_start3A_392 : memref<1x!tpu.dma_semaphore, #tpu.memory_space<semaphore_mem>> -> memref<!tpu.dma_semaphore, #tpu.memory_space<semaphore_mem>>
        tpu.enqueue_indirect_dma source(%dma_start3A_391 : memref<100000x128xf32, #tpu.memory_space<hbm>>) target(%dma_start3A_387 : memref<128x128xf32, #tpu.memory_space<vmem>>) offsets(%dma_start3A_388 : memref<128xi32, #tpu.memory_space<vmem>>) semaphore(%dma_start3A_393 : memref<!tpu.dma_semaphore, #tpu.memory_space<semaphore_mem>>)
      } else {
      }
      %mul3A_235 = arith.constant 5 : i32
      %mul3A_236 = arith.muli %scan3A_151, %mul3A_235 : i32
      %add3A_237 = arith.constant 2 : i32
      %add3A_238 = arith.addi %mul3A_236, %add3A_237 : i32
      %dma_wait3A_239 = arith.constant 2 : i32
      %dma_wait3A_240 = arith.constant 2 : i32
      %dma_wait3A_241 = arith.constant 0 : i32
      %dma_wait3A_242 = arith.constant 0 : i32
      %dma_wait3A_243 = tpu.memref_slice %arg6[%dma_wait3A_239, %dma_wait3A_241, %dma_wait3A_242] : memref<5x128x128xf32, #tpu.memory_space<vmem>> -> memref<1x128x128xf32, #tpu.memory_space<vmem>>
      %dma_wait3A_244 = tpu.memref_squeeze %dma_wait3A_243 : memref<1x128x128xf32, #tpu.memory_space<vmem>> -> memref<128x128xf32, #tpu.memory_space<vmem>>
      %dma_wait3A_245 = arith.constant 0 : i32
      %dma_wait3A_246 = tpu.memref_slice %arg5[%dma_wait3A_245] : memref<25600xi32, #tpu.memory_space<vmem>> -> memref<128xi32, #tpu.memory_space<vmem>>
      %dma_wait3A_247 = arith.constant 0 : i32
      %dma_wait3A_248 = arith.constant 0 : i32
      %dma_wait3A_249 = tpu.memref_slice %arg3[%dma_wait3A_247, %dma_wait3A_248] : memref<100000x128xf32, #tpu.memory_space<hbm>> -> memref<100000x128xf32, #tpu.memory_space<hbm>>
      %dma_wait3A_250 = tpu.memref_slice %arg7[%dma_wait3A_240] : memref<5x!tpu.dma_semaphore, #tpu.memory_space<semaphore_mem>> -> memref<1x!tpu.dma_semaphore, #tpu.memory_space<semaphore_mem>>
      %dma_wait3A_251 = tpu.memref_squeeze %dma_wait3A_250 : memref<1x!tpu.dma_semaphore, #tpu.memory_space<semaphore_mem>> -> memref<!tpu.dma_semaphore, #tpu.memory_space<semaphore_mem>>
      tpu.wait_indirect_dma semaphore(%dma_wait3A_251 : memref<!tpu.dma_semaphore, #tpu.memory_space<semaphore_mem>>) src(%dma_wait3A_249 : memref<100000x128xf32, #tpu.memory_space<hbm>>) dst(%dma_wait3A_244 : memref<128x128xf32, #tpu.memory_space<vmem>>)
      %mul3A_252 = arith.constant 128 : i32
      %mul3A_253 = arith.muli %add3A_238, %mul3A_252 : i32
      %add3A_254 = arith.addi %mul3A_2, %mul3A_253 : i32
      %dma_start3A_255 = arith.constant 2 : i32
      %dma_start3A_256 = arith.constant 2 : i32
      %dma_start3A_257 = arith.constant 0 : i32
      %dma_start3A_258 = arith.constant 0 : i32
      %dma_start3A_259 = tpu.memref_slice %arg6[%dma_start3A_255, %dma_start3A_257, %dma_start3A_258] : memref<5x128x128xf32, #tpu.memory_space<vmem>> -> memref<1x128x128xf32, #tpu.memory_space<vmem>>
      %dma_start3A_260 = tpu.memref_squeeze %dma_start3A_259 : memref<1x128x128xf32, #tpu.memory_space<vmem>> -> memref<128x128xf32, #tpu.memory_space<vmem>>
      %dma_start3A_261 = arith.constant 0 : i32
      %dma_start3A_262 = tpu.memref_slice %arg4[%add3A_254, %dma_start3A_261] : memref<819200x128xf32, #tpu.memory_space<hbm>> -> memref<128x128xf32, #tpu.memory_space<hbm>>
      %dma_start3A_263 = tpu.memref_slice %arg8[%dma_start3A_256] : memref<5x!tpu.dma_semaphore, #tpu.memory_space<semaphore_mem>> -> memref<1x!tpu.dma_semaphore, #tpu.memory_space<semaphore_mem>>
      %dma_start3A_264 = tpu.memref_squeeze %dma_start3A_263 : memref<1x!tpu.dma_semaphore, #tpu.memory_space<semaphore_mem>> -> memref<!tpu.dma_semaphore, #tpu.memory_space<semaphore_mem>>
      %dma_start3A_265 = arith.constant 0 : i32
      %dma_start3A_266 = tpu.memref_slice %arg4[%add3A_254, %dma_start3A_265] : memref<819200x128xf32, #tpu.memory_space<hbm>> -> memref<128x128xf32, #tpu.memory_space<hbm>>
      %dma_start3A_267 = arith.constant 0 : i32
      %dma_start3A_268 = arith.constant 0 : i32
      %dma_start3A_269 = tpu.memref_slice %arg6[%dma_start3A_255, %dma_start3A_267, %dma_start3A_268] : memref<5x128x128xf32, #tpu.memory_space<vmem>> -> memref<1x128x128xf32, #tpu.memory_space<vmem>>
      %dma_start3A_270 = tpu.memref_squeeze %dma_start3A_269 : memref<1x128x128xf32, #tpu.memory_space<vmem>> -> memref<128x128xf32, #tpu.memory_space<vmem>>
      tpu.enqueue_dma source(%dma_start3A_270 : memref<128x128xf32, #tpu.memory_space<vmem>>) target(%dma_start3A_266 : memref<128x128xf32, #tpu.memory_space<hbm>>) target_semaphore(%dma_start3A_264 : memref<!tpu.dma_semaphore, #tpu.memory_space<semaphore_mem>>)
      %add3A_271 = arith.constant 5 : i32
      %add3A_272 = arith.addi %add3A_238, %add3A_271 : i32
      %lt3A_273 = arith.constant 200 : i32
      %lt3A_274 = arith.cmpi slt, %add3A_272, %lt3A_273 : i32
      %convert_element_type3A_275 = arith.extui %lt3A_274 : i1 to i32
      %cond3A_276 = arith.constant 0 : i32
      %cond3A_277 = arith.cmpi ne, %convert_element_type3A_275, %cond3A_276 : i32
      scf.if %cond3A_277 {
        %dma_wait3A_364 = arith.constant 2 : i32
        %dma_wait3A_365 = arith.constant 2 : i32
        %dma_wait3A_366 = arith.constant 0 : i32
        %dma_wait3A_367 = arith.constant 0 : i32
        %dma_wait3A_368 = tpu.memref_slice %arg6[%dma_wait3A_364, %dma_wait3A_366, %dma_wait3A_367] : memref<5x128x128xf32, #tpu.memory_space<vmem>> -> memref<1x128x128xf32, #tpu.memory_space<vmem>>
        %dma_wait3A_369 = tpu.memref_squeeze %dma_wait3A_368 : memref<1x128x128xf32, #tpu.memory_space<vmem>> -> memref<128x128xf32, #tpu.memory_space<vmem>>
        %dma_wait3A_370 = arith.constant 0 : i32
        %dma_wait3A_371 = tpu.memref_slice %arg4[%mul3A_2, %dma_wait3A_370] : memref<819200x128xf32, #tpu.memory_space<hbm>> -> memref<128x128xf32, #tpu.memory_space<hbm>>
        %dma_wait3A_372 = tpu.memref_slice %arg8[%dma_wait3A_365] : memref<5x!tpu.dma_semaphore, #tpu.memory_space<semaphore_mem>> -> memref<1x!tpu.dma_semaphore, #tpu.memory_space<semaphore_mem>>
        %dma_wait3A_373 = tpu.memref_squeeze %dma_wait3A_372 : memref<1x!tpu.dma_semaphore, #tpu.memory_space<semaphore_mem>> -> memref<!tpu.dma_semaphore, #tpu.memory_space<semaphore_mem>>
        %dma_wait3A_374 = arith.constant 0 : i32
        %dma_wait3A_375 = tpu.memref_slice %arg4[%mul3A_2, %dma_wait3A_374] : memref<819200x128xf32, #tpu.memory_space<hbm>> -> memref<128x128xf32, #tpu.memory_space<hbm>>
        %dma_wait3A_376 = arith.constant 0 : i32
        %dma_wait3A_377 = arith.constant 0 : i32
        %dma_wait3A_378 = tpu.memref_slice %arg6[%dma_wait3A_364, %dma_wait3A_376, %dma_wait3A_377] : memref<5x128x128xf32, #tpu.memory_space<vmem>> -> memref<1x128x128xf32, #tpu.memory_space<vmem>>
        %dma_wait3A_379 = tpu.memref_squeeze %dma_wait3A_378 : memref<1x128x128xf32, #tpu.memory_space<vmem>> -> memref<128x128xf32, #tpu.memory_space<vmem>>
        tpu.wait_dma2 semaphore(%dma_wait3A_373 : memref<!tpu.dma_semaphore, #tpu.memory_space<semaphore_mem>>) src(%dma_wait3A_379 : memref<128x128xf32, #tpu.memory_space<vmem>>) dst(%dma_wait3A_375 : memref<128x128xf32, #tpu.memory_space<hbm>>)
        %mul3A_380 = arith.constant 128 : i32
        %mul3A_381 = arith.muli %add3A_272, %mul3A_380 : i32
        %dma_start3A_382 = arith.constant 2 : i32
        %dma_start3A_383 = arith.constant 2 : i32
        %dma_start3A_384 = arith.constant 0 : i32
        %dma_start3A_385 = arith.constant 0 : i32
        %dma_start3A_386 = tpu.memref_slice %arg6[%dma_start3A_382, %dma_start3A_384, %dma_start3A_385] : memref<5x128x128xf32, #tpu.memory_space<vmem>> -> memref<1x128x128xf32, #tpu.memory_space<vmem>>
        %dma_start3A_387 = tpu.memref_squeeze %dma_start3A_386 : memref<1x128x128xf32, #tpu.memory_space<vmem>> -> memref<128x128xf32, #tpu.memory_space<vmem>>
        %dma_start3A_388 = tpu.memref_slice %arg5[%mul3A_381] : memref<25600xi32, #tpu.memory_space<vmem>> -> memref<128xi32, #tpu.memory_space<vmem>>
        %dma_start3A_389 = arith.constant 0 : i32
        %dma_start3A_390 = arith.constant 0 : i32
        %dma_start3A_391 = tpu.memref_slice %arg3[%dma_start3A_389, %dma_start3A_390] : memref<100000x128xf32, #tpu.memory_space<hbm>> -> memref<100000x128xf32, #tpu.memory_space<hbm>>
        %dma_start3A_392 = tpu.memref_slice %arg7[%dma_start3A_383] : memref<5x!tpu.dma_semaphore, #tpu.memory_space<semaphore_mem>> -> memref<1x!tpu.dma_semaphore, #tpu.memory_space<semaphore_mem>>
        %dma_start3A_393 = tpu.memref_squeeze %dma_start3A_392 : memref<1x!tpu.dma_semaphore, #tpu.memory_space<semaphore_mem>> -> memref<!tpu.dma_semaphore, #tpu.memory_space<semaphore_mem>>
        tpu.enqueue_indirect_dma source(%dma_start3A_391 : memref<100000x128xf32, #tpu.memory_space<hbm>>) target(%dma_start3A_387 : memref<128x128xf32, #tpu.memory_space<vmem>>) offsets(%dma_start3A_388 : memref<128xi32, #tpu.memory_space<vmem>>) semaphore(%dma_start3A_393 : memref<!tpu.dma_semaphore, #tpu.memory_space<semaphore_mem>>)
      } else {
      }
      %mul3A_278 = arith.constant 5 : i32
      %mul3A_279 = arith.muli %scan3A_151, %mul3A_278 : i32
      %add3A_280 = arith.constant 3 : i32
      %add3A_281 = arith.addi %mul3A_279, %add3A_280 : i32
      %dma_wait3A_282 = arith.constant 3 : i32
      %dma_wait3A_283 = arith.constant 3 : i32
      %dma_wait3A_284 = arith.constant 0 : i32
      %dma_wait3A_285 = arith.constant 0 : i32
      %dma_wait3A_286 = tpu.memref_slice %arg6[%dma_wait3A_282, %dma_wait3A_284, %dma_wait3A_285] : memref<5x128x128xf32, #tpu.memory_space<vmem>> -> memref<1x128x128xf32, #tpu.memory_space<vmem>>
      %dma_wait3A_287 = tpu.memref_squeeze %dma_wait3A_286 : memref<1x128x128xf32, #tpu.memory_space<vmem>> -> memref<128x128xf32, #tpu.memory_space<vmem>>
      %dma_wait3A_288 = arith.constant 0 : i32
      %dma_wait3A_289 = tpu.memref_slice %arg5[%dma_wait3A_288] : memref<25600xi32, #tpu.memory_space<vmem>> -> memref<128xi32, #tpu.memory_space<vmem>>
      %dma_wait3A_290 = arith.constant 0 : i32
      %dma_wait3A_291 = arith.constant 0 : i32
      %dma_wait3A_292 = tpu.memref_slice %arg3[%dma_wait3A_290, %dma_wait3A_291] : memref<100000x128xf32, #tpu.memory_space<hbm>> -> memref<100000x128xf32, #tpu.memory_space<hbm>>
      %dma_wait3A_293 = tpu.memref_slice %arg7[%dma_wait3A_283] : memref<5x!tpu.dma_semaphore, #tpu.memory_space<semaphore_mem>> -> memref<1x!tpu.dma_semaphore, #tpu.memory_space<semaphore_mem>>
      %dma_wait3A_294 = tpu.memref_squeeze %dma_wait3A_293 : memref<1x!tpu.dma_semaphore, #tpu.memory_space<semaphore_mem>> -> memref<!tpu.dma_semaphore, #tpu.memory_space<semaphore_mem>>
      tpu.wait_indirect_dma semaphore(%dma_wait3A_294 : memref<!tpu.dma_semaphore, #tpu.memory_space<semaphore_mem>>) src(%dma_wait3A_292 : memref<100000x128xf32, #tpu.memory_space<hbm>>) dst(%dma_wait3A_287 : memref<128x128xf32, #tpu.memory_space<vmem>>)
      %mul3A_295 = arith.constant 128 : i32
      %mul3A_296 = arith.muli %add3A_281, %mul3A_295 : i32
      %add3A_297 = arith.addi %mul3A_2, %mul3A_296 : i32
      %dma_start3A_298 = arith.constant 3 : i32
      %dma_start3A_299 = arith.constant 3 : i32
      %dma_start3A_300 = arith.constant 0 : i32
      %dma_start3A_301 = arith.constant 0 : i32
      %dma_start3A_302 = tpu.memref_slice %arg6[%dma_start3A_298, %dma_start3A_300, %dma_start3A_301] : memref<5x128x128xf32, #tpu.memory_space<vmem>> -> memref<1x128x128xf32, #tpu.memory_space<vmem>>
      %dma_start3A_303 = tpu.memref_squeeze %dma_start3A_302 : memref<1x128x128xf32, #tpu.memory_space<vmem>> -> memref<128x128xf32, #tpu.memory_space<vmem>>
      %dma_start3A_304 = arith.constant 0 : i32
      %dma_start3A_305 = tpu.memref_slice %arg4[%add3A_297, %dma_start3A_304] : memref<819200x128xf32, #tpu.memory_space<hbm>> -> memref<128x128xf32, #tpu.memory_space<hbm>>
      %dma_start3A_306 = tpu.memref_slice %arg8[%dma_start3A_299] : memref<5x!tpu.dma_semaphore, #tpu.memory_space<semaphore_mem>> -> memref<1x!tpu.dma_semaphore, #tpu.memory_space<semaphore_mem>>
      %dma_start3A_307 = tpu.memref_squeeze %dma_start3A_306 : memref<1x!tpu.dma_semaphore, #tpu.memory_space<semaphore_mem>> -> memref<!tpu.dma_semaphore, #tpu.memory_space<semaphore_mem>>
      %dma_start3A_308 = arith.constant 0 : i32
      %dma_start3A_309 = tpu.memref_slice %arg4[%add3A_297, %dma_start3A_308] : memref<819200x128xf32, #tpu.memory_space<hbm>> -> memref<128x128xf32, #tpu.memory_space<hbm>>
      %dma_start3A_310 = arith.constant 0 : i32
      %dma_start3A_311 = arith.constant 0 : i32
      %dma_start3A_312 = tpu.memref_slice %arg6[%dma_start3A_298, %dma_start3A_310, %dma_start3A_311] : memref<5x128x128xf32, #tpu.memory_space<vmem>> -> memref<1x128x128xf32, #tpu.memory_space<vmem>>
      %dma_start3A_313 = tpu.memref_squeeze %dma_start3A_312 : memref<1x128x128xf32, #tpu.memory_space<vmem>> -> memref<128x128xf32, #tpu.memory_space<vmem>>
      tpu.enqueue_dma source(%dma_start3A_313 : memref<128x128xf32, #tpu.memory_space<vmem>>) target(%dma_start3A_309 : memref<128x128xf32, #tpu.memory_space<hbm>>) target_semaphore(%dma_start3A_307 : memref<!tpu.dma_semaphore, #tpu.memory_space<semaphore_mem>>)
      %add3A_314 = arith.constant 5 : i32
      %add3A_315 = arith.addi %add3A_281, %add3A_314 : i32
      %lt3A_316 = arith.constant 200 : i32
      %lt3A_317 = arith.cmpi slt, %add3A_315, %lt3A_316 : i32
      %convert_element_type3A_318 = arith.extui %lt3A_317 : i1 to i32
      %cond3A_319 = arith.constant 0 : i32
      %cond3A_320 = arith.cmpi ne, %convert_element_type3A_318, %cond3A_319 : i32
      scf.if %cond3A_320 {
        %dma_wait3A_364 = arith.constant 3 : i32
        %dma_wait3A_365 = arith.constant 3 : i32
        %dma_wait3A_366 = arith.constant 0 : i32
        %dma_wait3A_367 = arith.constant 0 : i32
        %dma_wait3A_368 = tpu.memref_slice %arg6[%dma_wait3A_364, %dma_wait3A_366, %dma_wait3A_367] : memref<5x128x128xf32, #tpu.memory_space<vmem>> -> memref<1x128x128xf32, #tpu.memory_space<vmem>>
        %dma_wait3A_369 = tpu.memref_squeeze %dma_wait3A_368 : memref<1x128x128xf32, #tpu.memory_space<vmem>> -> memref<128x128xf32, #tpu.memory_space<vmem>>
        %dma_wait3A_370 = arith.constant 0 : i32
        %dma_wait3A_371 = tpu.memref_slice %arg4[%mul3A_2, %dma_wait3A_370] : memref<819200x128xf32, #tpu.memory_space<hbm>> -> memref<128x128xf32, #tpu.memory_space<hbm>>
        %dma_wait3A_372 = tpu.memref_slice %arg8[%dma_wait3A_365] : memref<5x!tpu.dma_semaphore, #tpu.memory_space<semaphore_mem>> -> memref<1x!tpu.dma_semaphore, #tpu.memory_space<semaphore_mem>>
        %dma_wait3A_373 = tpu.memref_squeeze %dma_wait3A_372 : memref<1x!tpu.dma_semaphore, #tpu.memory_space<semaphore_mem>> -> memref<!tpu.dma_semaphore, #tpu.memory_space<semaphore_mem>>
        %dma_wait3A_374 = arith.constant 0 : i32
        %dma_wait3A_375 = tpu.memref_slice %arg4[%mul3A_2, %dma_wait3A_374] : memref<819200x128xf32, #tpu.memory_space<hbm>> -> memref<128x128xf32, #tpu.memory_space<hbm>>
        %dma_wait3A_376 = arith.constant 0 : i32
        %dma_wait3A_377 = arith.constant 0 : i32
        %dma_wait3A_378 = tpu.memref_slice %arg6[%dma_wait3A_364, %dma_wait3A_376, %dma_wait3A_377] : memref<5x128x128xf32, #tpu.memory_space<vmem>> -> memref<1x128x128xf32, #tpu.memory_space<vmem>>
        %dma_wait3A_379 = tpu.memref_squeeze %dma_wait3A_378 : memref<1x128x128xf32, #tpu.memory_space<vmem>> -> memref<128x128xf32, #tpu.memory_space<vmem>>
        tpu.wait_dma2 semaphore(%dma_wait3A_373 : memref<!tpu.dma_semaphore, #tpu.memory_space<semaphore_mem>>) src(%dma_wait3A_379 : memref<128x128xf32, #tpu.memory_space<vmem>>) dst(%dma_wait3A_375 : memref<128x128xf32, #tpu.memory_space<hbm>>)
        %mul3A_380 = arith.constant 128 : i32
        %mul3A_381 = arith.muli %add3A_315, %mul3A_380 : i32
        %dma_start3A_382 = arith.constant 3 : i32
        %dma_start3A_383 = arith.constant 3 : i32
        %dma_start3A_384 = arith.constant 0 : i32
        %dma_start3A_385 = arith.constant 0 : i32
        %dma_start3A_386 = tpu.memref_slice %arg6[%dma_start3A_382, %dma_start3A_384, %dma_start3A_385] : memref<5x128x128xf32, #tpu.memory_space<vmem>> -> memref<1x128x128xf32, #tpu.memory_space<vmem>>
        %dma_start3A_387 = tpu.memref_squeeze %dma_start3A_386 : memref<1x128x128xf32, #tpu.memory_space<vmem>> -> memref<128x128xf32, #tpu.memory_space<vmem>>
        %dma_start3A_388 = tpu.memref_slice %arg5[%mul3A_381] : memref<25600xi32, #tpu.memory_space<vmem>> -> memref<128xi32, #tpu.memory_space<vmem>>
        %dma_start3A_389 = arith.constant 0 : i32
        %dma_start3A_390 = arith.constant 0 : i32
        %dma_start3A_391 = tpu.memref_slice %arg3[%dma_start3A_389, %dma_start3A_390] : memref<100000x128xf32, #tpu.memory_space<hbm>> -> memref<100000x128xf32, #tpu.memory_space<hbm>>
        %dma_start3A_392 = tpu.memref_slice %arg7[%dma_start3A_383] : memref<5x!tpu.dma_semaphore, #tpu.memory_space<semaphore_mem>> -> memref<1x!tpu.dma_semaphore, #tpu.memory_space<semaphore_mem>>
        %dma_start3A_393 = tpu.memref_squeeze %dma_start3A_392 : memref<1x!tpu.dma_semaphore, #tpu.memory_space<semaphore_mem>> -> memref<!tpu.dma_semaphore, #tpu.memory_space<semaphore_mem>>
        tpu.enqueue_indirect_dma source(%dma_start3A_391 : memref<100000x128xf32, #tpu.memory_space<hbm>>) target(%dma_start3A_387 : memref<128x128xf32, #tpu.memory_space<vmem>>) offsets(%dma_start3A_388 : memref<128xi32, #tpu.memory_space<vmem>>) semaphore(%dma_start3A_393 : memref<!tpu.dma_semaphore, #tpu.memory_space<semaphore_mem>>)
      } else {
      }
      %mul3A_321 = arith.constant 5 : i32
      %mul3A_322 = arith.muli %scan3A_151, %mul3A_321 : i32
      %add3A_323 = arith.constant 4 : i32
      %add3A_324 = arith.addi %mul3A_322, %add3A_323 : i32
      %dma_wait3A_325 = arith.constant 4 : i32
      %dma_wait3A_326 = arith.constant 4 : i32
      %dma_wait3A_327 = arith.constant 0 : i32
      %dma_wait3A_328 = arith.constant 0 : i32
      %dma_wait3A_329 = tpu.memref_slice %arg6[%dma_wait3A_325, %dma_wait3A_327, %dma_wait3A_328] : memref<5x128x128xf32, #tpu.memory_space<vmem>> -> memref<1x128x128xf32, #tpu.memory_space<vmem>>
      %dma_wait3A_330 = tpu.memref_squeeze %dma_wait3A_329 : memref<1x128x128xf32, #tpu.memory_space<vmem>> -> memref<128x128xf32, #tpu.memory_space<vmem>>
      %dma_wait3A_331 = arith.constant 0 : i32
      %dma_wait3A_332 = tpu.memref_slice %arg5[%dma_wait3A_331] : memref<25600xi32, #tpu.memory_space<vmem>> -> memref<128xi32, #tpu.memory_space<vmem>>
      %dma_wait3A_333 = arith.constant 0 : i32
      %dma_wait3A_334 = arith.constant 0 : i32
      %dma_wait3A_335 = tpu.memref_slice %arg3[%dma_wait3A_333, %dma_wait3A_334] : memref<100000x128xf32, #tpu.memory_space<hbm>> -> memref<100000x128xf32, #tpu.memory_space<hbm>>
      %dma_wait3A_336 = tpu.memref_slice %arg7[%dma_wait3A_326] : memref<5x!tpu.dma_semaphore, #tpu.memory_space<semaphore_mem>> -> memref<1x!tpu.dma_semaphore, #tpu.memory_space<semaphore_mem>>
      %dma_wait3A_337 = tpu.memref_squeeze %dma_wait3A_336 : memref<1x!tpu.dma_semaphore, #tpu.memory_space<semaphore_mem>> -> memref<!tpu.dma_semaphore, #tpu.memory_space<semaphore_mem>>
      tpu.wait_indirect_dma semaphore(%dma_wait3A_337 : memref<!tpu.dma_semaphore, #tpu.memory_space<semaphore_mem>>) src(%dma_wait3A_335 : memref<100000x128xf32, #tpu.memory_space<hbm>>) dst(%dma_wait3A_330 : memref<128x128xf32, #tpu.memory_space<vmem>>)
      %mul3A_338 = arith.constant 128 : i32
      %mul3A_339 = arith.muli %add3A_324, %mul3A_338 : i32
      %add3A_340 = arith.addi %mul3A_2, %mul3A_339 : i32
      %dma_start3A_341 = arith.constant 4 : i32
      %dma_start3A_342 = arith.constant 4 : i32
      %dma_start3A_343 = arith.constant 0 : i32
      %dma_start3A_344 = arith.constant 0 : i32
      %dma_start3A_345 = tpu.memref_slice %arg6[%dma_start3A_341, %dma_start3A_343, %dma_start3A_344] : memref<5x128x128xf32, #tpu.memory_space<vmem>> -> memref<1x128x128xf32, #tpu.memory_space<vmem>>
      %dma_start3A_346 = tpu.memref_squeeze %dma_start3A_345 : memref<1x128x128xf32, #tpu.memory_space<vmem>> -> memref<128x128xf32, #tpu.memory_space<vmem>>
      %dma_start3A_347 = arith.constant 0 : i32
      %dma_start3A_348 = tpu.memref_slice %arg4[%add3A_340, %dma_start3A_347] : memref<819200x128xf32, #tpu.memory_space<hbm>> -> memref<128x128xf32, #tpu.memory_space<hbm>>
      %dma_start3A_349 = tpu.memref_slice %arg8[%dma_start3A_342] : memref<5x!tpu.dma_semaphore, #tpu.memory_space<semaphore_mem>> -> memref<1x!tpu.dma_semaphore, #tpu.memory_space<semaphore_mem>>
      %dma_start3A_350 = tpu.memref_squeeze %dma_start3A_349 : memref<1x!tpu.dma_semaphore, #tpu.memory_space<semaphore_mem>> -> memref<!tpu.dma_semaphore, #tpu.memory_space<semaphore_mem>>
      %dma_start3A_351 = arith.constant 0 : i32
      %dma_start3A_352 = tpu.memref_slice %arg4[%add3A_340, %dma_start3A_351] : memref<819200x128xf32, #tpu.memory_space<hbm>> -> memref<128x128xf32, #tpu.memory_space<hbm>>
      %dma_start3A_353 = arith.constant 0 : i32
      %dma_start3A_354 = arith.constant 0 : i32
      %dma_start3A_355 = tpu.memref_slice %arg6[%dma_start3A_341, %dma_start3A_353, %dma_start3A_354] : memref<5x128x128xf32, #tpu.memory_space<vmem>> -> memref<1x128x128xf32, #tpu.memory_space<vmem>>
      %dma_start3A_356 = tpu.memref_squeeze %dma_start3A_355 : memref<1x128x128xf32, #tpu.memory_space<vmem>> -> memref<128x128xf32, #tpu.memory_space<vmem>>
      tpu.enqueue_dma source(%dma_start3A_356 : memref<128x128xf32, #tpu.memory_space<vmem>>) target(%dma_start3A_352 : memref<128x128xf32, #tpu.memory_space<hbm>>) target_semaphore(%dma_start3A_350 : memref<!tpu.dma_semaphore, #tpu.memory_space<semaphore_mem>>)
      %add3A_357 = arith.constant 5 : i32
      %add3A_358 = arith.addi %add3A_324, %add3A_357 : i32
      %lt3A_359 = arith.constant 200 : i32
      %lt3A_360 = arith.cmpi slt, %add3A_358, %lt3A_359 : i32
      %convert_element_type3A_361 = arith.extui %lt3A_360 : i1 to i32
      %cond3A_362 = arith.constant 0 : i32
      %cond3A_363 = arith.cmpi ne, %convert_element_type3A_361, %cond3A_362 : i32
      scf.if %cond3A_363 {
        %dma_wait3A_364 = arith.constant 4 : i32
        %dma_wait3A_365 = arith.constant 4 : i32
        %dma_wait3A_366 = arith.constant 0 : i32
        %dma_wait3A_367 = arith.constant 0 : i32
        %dma_wait3A_368 = tpu.memref_slice %arg6[%dma_wait3A_364, %dma_wait3A_366, %dma_wait3A_367] : memref<5x128x128xf32, #tpu.memory_space<vmem>> -> memref<1x128x128xf32, #tpu.memory_space<vmem>>
        %dma_wait3A_369 = tpu.memref_squeeze %dma_wait3A_368 : memref<1x128x128xf32, #tpu.memory_space<vmem>> -> memref<128x128xf32, #tpu.memory_space<vmem>>
        %dma_wait3A_370 = arith.constant 0 : i32
        %dma_wait3A_371 = tpu.memref_slice %arg4[%mul3A_2, %dma_wait3A_370] : memref<819200x128xf32, #tpu.memory_space<hbm>> -> memref<128x128xf32, #tpu.memory_space<hbm>>
        %dma_wait3A_372 = tpu.memref_slice %arg8[%dma_wait3A_365] : memref<5x!tpu.dma_semaphore, #tpu.memory_space<semaphore_mem>> -> memref<1x!tpu.dma_semaphore, #tpu.memory_space<semaphore_mem>>
        %dma_wait3A_373 = tpu.memref_squeeze %dma_wait3A_372 : memref<1x!tpu.dma_semaphore, #tpu.memory_space<semaphore_mem>> -> memref<!tpu.dma_semaphore, #tpu.memory_space<semaphore_mem>>
        %dma_wait3A_374 = arith.constant 0 : i32
        %dma_wait3A_375 = tpu.memref_slice %arg4[%mul3A_2, %dma_wait3A_374] : memref<819200x128xf32, #tpu.memory_space<hbm>> -> memref<128x128xf32, #tpu.memory_space<hbm>>
        %dma_wait3A_376 = arith.constant 0 : i32
        %dma_wait3A_377 = arith.constant 0 : i32
        %dma_wait3A_378 = tpu.memref_slice %arg6[%dma_wait3A_364, %dma_wait3A_376, %dma_wait3A_377] : memref<5x128x128xf32, #tpu.memory_space<vmem>> -> memref<1x128x128xf32, #tpu.memory_space<vmem>>
        %dma_wait3A_379 = tpu.memref_squeeze %dma_wait3A_378 : memref<1x128x128xf32, #tpu.memory_space<vmem>> -> memref<128x128xf32, #tpu.memory_space<vmem>>
        tpu.wait_dma2 semaphore(%dma_wait3A_373 : memref<!tpu.dma_semaphore, #tpu.memory_space<semaphore_mem>>) src(%dma_wait3A_379 : memref<128x128xf32, #tpu.memory_space<vmem>>) dst(%dma_wait3A_375 : memref<128x128xf32, #tpu.memory_space<hbm>>)
        %mul3A_380 = arith.constant 128 : i32
        %mul3A_381 = arith.muli %add3A_358, %mul3A_380 : i32
        %dma_start3A_382 = arith.constant 4 : i32
        %dma_start3A_383 = arith.constant 4 : i32
        %dma_start3A_384 = arith.constant 0 : i32
        %dma_start3A_385 = arith.constant 0 : i32
        %dma_start3A_386 = tpu.memref_slice %arg6[%dma_start3A_382, %dma_start3A_384, %dma_start3A_385] : memref<5x128x128xf32, #tpu.memory_space<vmem>> -> memref<1x128x128xf32, #tpu.memory_space<vmem>>
        %dma_start3A_387 = tpu.memref_squeeze %dma_start3A_386 : memref<1x128x128xf32, #tpu.memory_space<vmem>> -> memref<128x128xf32, #tpu.memory_space<vmem>>
        %dma_start3A_388 = tpu.memref_slice %arg5[%mul3A_381] : memref<25600xi32, #tpu.memory_space<vmem>> -> memref<128xi32, #tpu.memory_space<vmem>>
        %dma_start3A_389 = arith.constant 0 : i32
        %dma_start3A_390 = arith.constant 0 : i32
        %dma_start3A_391 = tpu.memref_slice %arg3[%dma_start3A_389, %dma_start3A_390] : memref<100000x128xf32, #tpu.memory_space<hbm>> -> memref<100000x128xf32, #tpu.memory_space<hbm>>
        %dma_start3A_392 = tpu.memref_slice %arg7[%dma_start3A_383] : memref<5x!tpu.dma_semaphore, #tpu.memory_space<semaphore_mem>> -> memref<1x!tpu.dma_semaphore, #tpu.memory_space<semaphore_mem>>
        %dma_start3A_393 = tpu.memref_squeeze %dma_start3A_392 : memref<1x!tpu.dma_semaphore, #tpu.memory_space<semaphore_mem>> -> memref<!tpu.dma_semaphore, #tpu.memory_space<semaphore_mem>>
        tpu.enqueue_indirect_dma source(%dma_start3A_391 : memref<100000x128xf32, #tpu.memory_space<hbm>>) target(%dma_start3A_387 : memref<128x128xf32, #tpu.memory_space<vmem>>) offsets(%dma_start3A_388 : memref<128xi32, #tpu.memory_space<vmem>>) semaphore(%dma_start3A_393 : memref<!tpu.dma_semaphore, #tpu.memory_space<semaphore_mem>>)
      } else {
      }
    }
    %scan3A_71 = arith.constant 40 : i32
    %dma_wait3A = arith.constant 0 : i32
    %dma_wait3A_72 = arith.constant 0 : i32
    %dma_wait3A_73 = arith.constant 0 : i32
    %dma_wait3A_74 = arith.constant 0 : i32
    %dma_wait3A_75 = tpu.memref_slice %arg6[%dma_wait3A, %dma_wait3A_73, %dma_wait3A_74] : memref<5x128x128xf32, #tpu.memory_space<vmem>> -> memref<1x128x128xf32, #tpu.memory_space<vmem>>
    %dma_wait3A_76 = tpu.memref_squeeze %dma_wait3A_75 : memref<1x128x128xf32, #tpu.memory_space<vmem>> -> memref<128x128xf32, #tpu.memory_space<vmem>>
    %dma_wait3A_77 = arith.constant 0 : i32
    %dma_wait3A_78 = tpu.memref_slice %arg4[%mul3A_2, %dma_wait3A_77] : memref<819200x128xf32, #tpu.memory_space<hbm>> -> memref<128x128xf32, #tpu.memory_space<hbm>>
    %dma_wait3A_79 = tpu.memref_slice %arg8[%dma_wait3A_72] : memref<5x!tpu.dma_semaphore, #tpu.memory_space<semaphore_mem>> -> memref<1x!tpu.dma_semaphore, #tpu.memory_space<semaphore_mem>>
    %dma_wait3A_80 = tpu.memref_squeeze %dma_wait3A_79 : memref<1x!tpu.dma_semaphore, #tpu.memory_space<semaphore_mem>> -> memref<!tpu.dma_semaphore, #tpu.memory_space<semaphore_mem>>
    %dma_wait3A_81 = arith.constant 0 : i32
    %dma_wait3A_82 = tpu.memref_slice %arg4[%mul3A_2, %dma_wait3A_81] : memref<819200x128xf32, #tpu.memory_space<hbm>> -> memref<128x128xf32, #tpu.memory_space<hbm>>
    %dma_wait3A_83 = arith.constant 0 : i32
    %dma_wait3A_84 = arith.constant 0 : i32
    %dma_wait3A_85 = tpu.memref_slice %arg6[%dma_wait3A, %dma_wait3A_83, %dma_wait3A_84] : memref<5x128x128xf32, #tpu.memory_space<vmem>> -> memref<1x128x128xf32, #tpu.memory_space<vmem>>
    %dma_wait3A_86 = tpu.memref_squeeze %dma_wait3A_85 : memref<1x128x128xf32, #tpu.memory_space<vmem>> -> memref<128x128xf32, #tpu.memory_space<vmem>>
    tpu.wait_dma2 semaphore(%dma_wait3A_80 : memref<!tpu.dma_semaphore, #tpu.memory_space<semaphore_mem>>) src(%dma_wait3A_86 : memref<128x128xf32, #tpu.memory_space<vmem>>) dst(%dma_wait3A_82 : memref<128x128xf32, #tpu.memory_space<hbm>>)
    %dma_wait3A_87 = arith.constant 1 : i32
    %dma_wait3A_88 = arith.constant 1 : i32
    %dma_wait3A_89 = arith.constant 0 : i32
    %dma_wait3A_90 = arith.constant 0 : i32
    %dma_wait3A_91 = tpu.memref_slice %arg6[%dma_wait3A_87, %dma_wait3A_89, %dma_wait3A_90] : memref<5x128x128xf32, #tpu.memory_space<vmem>> -> memref<1x128x128xf32, #tpu.memory_space<vmem>>
    %dma_wait3A_92 = tpu.memref_squeeze %dma_wait3A_91 : memref<1x128x128xf32, #tpu.memory_space<vmem>> -> memref<128x128xf32, #tpu.memory_space<vmem>>
    %dma_wait3A_93 = arith.constant 0 : i32
    %dma_wait3A_94 = tpu.memref_slice %arg4[%mul3A_2, %dma_wait3A_93] : memref<819200x128xf32, #tpu.memory_space<hbm>> -> memref<128x128xf32, #tpu.memory_space<hbm>>
    %dma_wait3A_95 = tpu.memref_slice %arg8[%dma_wait3A_88] : memref<5x!tpu.dma_semaphore, #tpu.memory_space<semaphore_mem>> -> memref<1x!tpu.dma_semaphore, #tpu.memory_space<semaphore_mem>>
    %dma_wait3A_96 = tpu.memref_squeeze %dma_wait3A_95 : memref<1x!tpu.dma_semaphore, #tpu.memory_space<semaphore_mem>> -> memref<!tpu.dma_semaphore, #tpu.memory_space<semaphore_mem>>
    %dma_wait3A_97 = arith.constant 0 : i32
    %dma_wait3A_98 = tpu.memref_slice %arg4[%mul3A_2, %dma_wait3A_97] : memref<819200x128xf32, #tpu.memory_space<hbm>> -> memref<128x128xf32, #tpu.memory_space<hbm>>
    %dma_wait3A_99 = arith.constant 0 : i32
    %dma_wait3A_100 = arith.constant 0 : i32
    %dma_wait3A_101 = tpu.memref_slice %arg6[%dma_wait3A_87, %dma_wait3A_99, %dma_wait3A_100] : memref<5x128x128xf32, #tpu.memory_space<vmem>> -> memref<1x128x128xf32, #tpu.memory_space<vmem>>
    %dma_wait3A_102 = tpu.memref_squeeze %dma_wait3A_101 : memref<1x128x128xf32, #tpu.memory_space<vmem>> -> memref<128x128xf32, #tpu.memory_space<vmem>>
    tpu.wait_dma2 semaphore(%dma_wait3A_96 : memref<!tpu.dma_semaphore, #tpu.memory_space<semaphore_mem>>) src(%dma_wait3A_102 : memref<128x128xf32, #tpu.memory_space<vmem>>) dst(%dma_wait3A_98 : memref<128x128xf32, #tpu.memory_space<hbm>>)
    %dma_wait3A_103 = arith.constant 2 : i32
    %dma_wait3A_104 = arith.constant 2 : i32
    %dma_wait3A_105 = arith.constant 0 : i32
    %dma_wait3A_106 = arith.constant 0 : i32
    %dma_wait3A_107 = tpu.memref_slice %arg6[%dma_wait3A_103, %dma_wait3A_105, %dma_wait3A_106] : memref<5x128x128xf32, #tpu.memory_space<vmem>> -> memref<1x128x128xf32, #tpu.memory_space<vmem>>
    %dma_wait3A_108 = tpu.memref_squeeze %dma_wait3A_107 : memref<1x128x128xf32, #tpu.memory_space<vmem>> -> memref<128x128xf32, #tpu.memory_space<vmem>>
    %dma_wait3A_109 = arith.constant 0 : i32
    %dma_wait3A_110 = tpu.memref_slice %arg4[%mul3A_2, %dma_wait3A_109] : memref<819200x128xf32, #tpu.memory_space<hbm>> -> memref<128x128xf32, #tpu.memory_space<hbm>>
    %dma_wait3A_111 = tpu.memref_slice %arg8[%dma_wait3A_104] : memref<5x!tpu.dma_semaphore, #tpu.memory_space<semaphore_mem>> -> memref<1x!tpu.dma_semaphore, #tpu.memory_space<semaphore_mem>>
    %dma_wait3A_112 = tpu.memref_squeeze %dma_wait3A_111 : memref<1x!tpu.dma_semaphore, #tpu.memory_space<semaphore_mem>> -> memref<!tpu.dma_semaphore, #tpu.memory_space<semaphore_mem>>
    %dma_wait3A_113 = arith.constant 0 : i32
    %dma_wait3A_114 = tpu.memref_slice %arg4[%mul3A_2, %dma_wait3A_113] : memref<819200x128xf32, #tpu.memory_space<hbm>> -> memref<128x128xf32, #tpu.memory_space<hbm>>
    %dma_wait3A_115 = arith.constant 0 : i32
    %dma_wait3A_116 = arith.constant 0 : i32
    %dma_wait3A_117 = tpu.memref_slice %arg6[%dma_wait3A_103, %dma_wait3A_115, %dma_wait3A_116] : memref<5x128x128xf32, #tpu.memory_space<vmem>> -> memref<1x128x128xf32, #tpu.memory_space<vmem>>
    %dma_wait3A_118 = tpu.memref_squeeze %dma_wait3A_117 : memref<1x128x128xf32, #tpu.memory_space<vmem>> -> memref<128x128xf32, #tpu.memory_space<vmem>>
    tpu.wait_dma2 semaphore(%dma_wait3A_112 : memref<!tpu.dma_semaphore, #tpu.memory_space<semaphore_mem>>) src(%dma_wait3A_118 : memref<128x128xf32, #tpu.memory_space<vmem>>) dst(%dma_wait3A_114 : memref<128x128xf32, #tpu.memory_space<hbm>>)
    %dma_wait3A_119 = arith.constant 3 : i32
    %dma_wait3A_120 = arith.constant 3 : i32
    %dma_wait3A_121 = arith.constant 0 : i32
    %dma_wait3A_122 = arith.constant 0 : i32
    %dma_wait3A_123 = tpu.memref_slice %arg6[%dma_wait3A_119, %dma_wait3A_121, %dma_wait3A_122] : memref<5x128x128xf32, #tpu.memory_space<vmem>> -> memref<1x128x128xf32, #tpu.memory_space<vmem>>
    %dma_wait3A_124 = tpu.memref_squeeze %dma_wait3A_123 : memref<1x128x128xf32, #tpu.memory_space<vmem>> -> memref<128x128xf32, #tpu.memory_space<vmem>>
    %dma_wait3A_125 = arith.constant 0 : i32
    %dma_wait3A_126 = tpu.memref_slice %arg4[%mul3A_2, %dma_wait3A_125] : memref<819200x128xf32, #tpu.memory_space<hbm>> -> memref<128x128xf32, #tpu.memory_space<hbm>>
    %dma_wait3A_127 = tpu.memref_slice %arg8[%dma_wait3A_120] : memref<5x!tpu.dma_semaphore, #tpu.memory_space<semaphore_mem>> -> memref<1x!tpu.dma_semaphore, #tpu.memory_space<semaphore_mem>>
    %dma_wait3A_128 = tpu.memref_squeeze %dma_wait3A_127 : memref<1x!tpu.dma_semaphore, #tpu.memory_space<semaphore_mem>> -> memref<!tpu.dma_semaphore, #tpu.memory_space<semaphore_mem>>
    %dma_wait3A_129 = arith.constant 0 : i32
    %dma_wait3A_130 = tpu.memref_slice %arg4[%mul3A_2, %dma_wait3A_129] : memref<819200x128xf32, #tpu.memory_space<hbm>> -> memref<128x128xf32, #tpu.memory_space<hbm>>
    %dma_wait3A_131 = arith.constant 0 : i32
    %dma_wait3A_132 = arith.constant 0 : i32
    %dma_wait3A_133 = tpu.memref_slice %arg6[%dma_wait3A_119, %dma_wait3A_131, %dma_wait3A_132] : memref<5x128x128xf32, #tpu.memory_space<vmem>> -> memref<1x128x128xf32, #tpu.memory_space<vmem>>
    %dma_wait3A_134 = tpu.memref_squeeze %dma_wait3A_133 : memref<1x128x128xf32, #tpu.memory_space<vmem>> -> memref<128x128xf32, #tpu.memory_space<vmem>>
    tpu.wait_dma2 semaphore(%dma_wait3A_128 : memref<!tpu.dma_semaphore, #tpu.memory_space<semaphore_mem>>) src(%dma_wait3A_134 : memref<128x128xf32, #tpu.memory_space<vmem>>) dst(%dma_wait3A_130 : memref<128x128xf32, #tpu.memory_space<hbm>>)
    %dma_wait3A_135 = arith.constant 4 : i32
    %dma_wait3A_136 = arith.constant 4 : i32
    %dma_wait3A_137 = arith.constant 0 : i32
    %dma_wait3A_138 = arith.constant 0 : i32
    %dma_wait3A_139 = tpu.memref_slice %arg6[%dma_wait3A_135, %dma_wait3A_137, %dma_wait3A_138] : memref<5x128x128xf32, #tpu.memory_space<vmem>> -> memref<1x128x128xf32, #tpu.memory_space<vmem>>
    %dma_wait3A_140 = tpu.memref_squeeze %dma_wait3A_139 : memref<1x128x128xf32, #tpu.memory_space<vmem>> -> memref<128x128xf32, #tpu.memory_space<vmem>>
    %dma_wait3A_141 = arith.constant 0 : i32
    %dma_wait3A_142 = tpu.memref_slice %arg4[%mul3A_2, %dma_wait3A_141] : memref<819200x128xf32, #tpu.memory_space<hbm>> -> memref<128x128xf32, #tpu.memory_space<hbm>>
    %dma_wait3A_143 = tpu.memref_slice %arg8[%dma_wait3A_136] : memref<5x!tpu.dma_semaphore, #tpu.memory_space<semaphore_mem>> -> memref<1x!tpu.dma_semaphore, #tpu.memory_space<semaphore_mem>>
    %dma_wait3A_144 = tpu.memref_squeeze %dma_wait3A_143 : memref<1x!tpu.dma_semaphore, #tpu.memory_space<semaphore_mem>> -> memref<!tpu.dma_semaphore, #tpu.memory_space<semaphore_mem>>
    %dma_wait3A_145 = arith.constant 0 : i32
    %dma_wait3A_146 = tpu.memref_slice %arg4[%mul3A_2, %dma_wait3A_145] : memref<819200x128xf32, #tpu.memory_space<hbm>> -> memref<128x128xf32, #tpu.memory_space<hbm>>
    %dma_wait3A_147 = arith.constant 0 : i32
    %dma_wait3A_148 = arith.constant 0 : i32
    %dma_wait3A_149 = tpu.memref_slice %arg6[%dma_wait3A_135, %dma_wait3A_147, %dma_wait3A_148] : memref<5x128x128xf32, #tpu.memory_space<vmem>> -> memref<1x128x128xf32, #tpu.memory_space<vmem>>
    %dma_wait3A_150 = tpu.memref_squeeze %dma_wait3A_149 : memref<1x128x128xf32, #tpu.memory_space<vmem>> -> memref<128x128xf32, #tpu.memory_space<vmem>>
    tpu.wait_dma2 semaphore(%dma_wait3A_144 : memref<!tpu.dma_semaphore, #tpu.memory_space<semaphore_mem>>) src(%dma_wait3A_150 : memref<128x128xf32, #tpu.memory_space<vmem>>) dst(%dma_wait3A_146 : memref<128x128xf32, #tpu.memory_space<hbm>>)
    return
  }
}

</mosaic_0001>

<sc_bundles>
// kernel: kernel.3.cloned.1.call-start
scs
__scs_entry_jumppad:
0x0: {  	(pc) =	sbr.rel $0x88, $3  }
0x1: {  	(tag) =	ssettag $0x0;
	lr =	simm.s32 $0x1  }
0x2: {  	[smem:$0x3F9F] =	sst lr;
	_ =	strace $0xD0000000  }
0x3: {  	_ = 	snop  }
0x4: {  	_ = 	snop  }
0x5: {  	_ = 	snop  }
0x6: {  	_ = 	snop  }
0x7: {  	_ = 	snop  }
__scs_overlays_trampoline_lowered:
0x8: {  	[smem:$0x3FAE] =	sst s0  }
0x9: {  	[smem:$0x3FAF] =	sst s1  }
0xa: {  	[smem:$0x3FB0] =	sst s2  }
0xb: {  	[smem:$0x3FB1] =	sst s3  }
0xc: {  	[smem:$0x3FB2] =	sst s4  }
0xd: {  	[smem:$0x3FB3] =	sst s5  }
0xe: {  	[smem:$0x3FB4] =	sst s6  }
0xf: {  	[smem:$0x3FB5] =	sst s7  }
0x10: {  	[smem:$0x3FB6] =	sst s8  }
0x11: {  	[smem:$0x3FB7] =	sst s9;
	s0 =	simm.s32 @!p0 $0x0  }
0x12: {  	s1 =	sld [smem:$0x3F9D];
	s0 =	simm.s32 @p0 $0x1  }
0x13: {  	[smem:$0x3FB8] =	sst s0;
	s0 =	simm.s32 @!p1 $0x0  }
0x14: {  	s2 =	sld [smem:$0x3F9C];
	s0 =	simm.s32 @p1 $0x1  }
0x15: {  	[smem:$0x3FB9] =	sst s0;
	s0 =	simm.s32 @!p2 $0x0  }
0x16: {  	s3 =	sld [smem:$0x3FDB];
	s0 =	simm.s32 @p2 $0x1  }
0x17: {  	s4 =	simm.s32 $0x1BF5;
	[smem:$0x3FBB] =	sst s0  }
0x18: {  	s0 =	sld [smem:$0x3F9E];
	_ =	swait.ge [sflag:s4], $0x0  }
0x19: {  	s7 =	sld [smem:$0x3F9F]  }
0x1a: {  	s8 =	sadd.s32 $0xFFFFE003, lr  }
0x1b: {  	s9 =	sadd.s32 $0xFFFFFEF7, lr;
	s5 =	simm.s32 $0xFFFFFFFF;
	p2 =	slt.u32 s8, $0xFFFFF086  }
0x1c: {  	p1 =	slt.u32 s9, $0xF7A;
	s5 =	simm.s32 @!p2 $0x0  }
0x1d: {  	s5 =	simm.s32 @p1 $0x1;
	p0 =	seq.s32 s7, s2  }
0x1e: {  	s7 =	smul.u32 @!p0 $0xF7A, s2;
	p2 =	seq.s32 @!p0 s5, $0x0  }
0x1f: {  	s9 =	smul.u32 $0xF7A, s1;
	s8 =	simm.s32 @!p0 $0x1BF5;
	p2 =	por !p2, p0  }
0x20: {  	[sflag:s8] =	ssyncset.s32 @!p0 $0xFFFFF086;
	s6 =	sadd.s32 @!p0 s3, s7;
	s7 =	simm.s32 @!p0 $0x108  }
0x21: {  	s3 =	sadd.s32 s3, s9;
	s6 =	sadd.s32 @!p0 $0x88, s6;
	s7 =	simm.s32 @p2 $0x1082  }
0x22: {  	[simem:s7], [sflag:s8] =	dma.local @!p0 [hbm:s6], $0xF7A  }
0x23: {  	s9 =	sor.u32 $0xD0000000, s2;
	s6 =	simm.s32 $0x108;
	_ =	swait.ge @!p0 [sflag:s8], $0x0  }
0x24: {  	s3 =	sadd.s32 $0x88, s3;
	s6 =	simm.s32 @!p1 $0x1082;
	[sflag:s4] =	ssyncset.s32 $0xFFFFF086  }
0x25: {  	[simem:s6], [sflag:s4] =	dma.local [hbm:s3], $0xF7A  }
0x26: {  	[smem:$0x3F9F] =	sst s1;
	(tag) =	ssettag s2;
	_ =	strace s9  }
0x27: {  	s1 =	sld [smem:$0x3FAF]  }
0x28: {  	s2 =	sld [smem:$0x3FB0]  }
0x29: {  	s4 =	sld [smem:$0x3FB2]  }
0x2a: {  	p0 =	seq.s32 s5, $0x0;
	s5 =	sld [smem:$0x3FB3]  }
0x2b: {  	s6 =	sld [smem:$0x3FB4]  }
0x2c: {  	s7 =	sld [smem:$0x3FB5]  }
0x2d: {  	s3 =	simm.s32 $0x108;
	s8 =	sld [smem:$0x3FB6]  }
0x2e: {  	s3 =	simm.s32 @!p0 $0x1082;
	s9 =	sld [smem:$0x3FB7]  }
0x2f: {  	lr =	sadd.s32 s0, s3;
	s0 =	sld [smem:$0x3FAE]  }
0x30: {  	s3 =	sld [smem:$0x3FB1]  }
0x31: {  	[smem:$0x3FBA] =	sst s10  }
0x32: {  	s10 =	sld [smem:$0x3FB8];
	_ =	sdelay $0x3  }
0x33: {  	p0 =	seq.s32 s10, $0x1;
	s10 =	sld [smem:$0x3FBA];
	_ =	sdelay $0x3  }
0x34: {  	[smem:$0x3FBA] =	sst s10  }
0x35: {  	s10 =	sld [smem:$0x3FB9];
	_ =	sdelay $0x3  }
0x36: {  	p1 =	seq.s32 s10, $0x1;
	s10 =	sld [smem:$0x3FBA];
	_ =	sdelay $0x3  }
0x37: {  	[smem:$0x3FBA] =	sst s10  }
0x38: {  	s10 =	sld [smem:$0x3FBB]  }
0x39: {  	_ = 	snop;
	(pc) =	sbr.ind lr, $3  }
0x3a: {  	_ = 	snop  }
0x3b: {  	_ = 	snop  }
0x3c: {  	p2 =	seq.s32 s10, $0x1;
	s10 =	sld [smem:$0x3FBA]  }
0x3d: {  	_ =	shalt  }
0x3e: {  	_ =	shalt  }
0x3f: {  	_ =	shalt  }
0x40: {  	_ =	shalt  }
0x41: {  	_ =	shalt  }
0x42: {  	_ =	shalt  }
0x43: {  	_ =	shalt  }
0x44: {  	_ =	shalt  }
0x45: {  	_ =	shalt  }
0x46: {  	_ =	shalt  }
0x47: {  	_ =	shalt  }
0x48: {  	_ =	shalt  }
0x49: {  	_ =	shalt  }
0x4a: {  	_ =	shalt  }
0x4b: {  	_ =	shalt  }
0x4c: {  	_ =	shalt  }
0x4d: {  	_ =	shalt  }
0x4e: {  	_ =	shalt  }
0x4f: {  	_ =	shalt  }
0x50: {  	_ =	shalt  }
0x51: {  	_ =	shalt  }
0x52: {  	_ =	shalt  }
0x53: {  	_ =	shalt  }
0x54: {  	_ =	shalt  }
0x55: {  	_ =	shalt  }
0x56: {  	_ =	shalt  }
0x57: {  	_ =	shalt  }
0x58: {  	_ =	shalt  }
0x59: {  	_ =	shalt  }
0x5a: {  	_ =	shalt  }
0x5b: {  	_ =	shalt  }
0x5c: {  	_ =	shalt  }
0x5d: {  	_ =	shalt  }
0x5e: {  	_ =	shalt  }
0x5f: {  	_ =	shalt  }
0x60: {  	_ =	shalt  }
0x61: {  	_ =	shalt  }
0x62: {  	_ =	shalt  }
0x63: {  	_ =	shalt  }
0x64: {  	_ =	shalt  }
0x65: {  	_ =	shalt  }
0x66: {  	_ =	shalt  }
0x67: {  	_ =	shalt  }
0x68: {  	_ =	shalt  }
0x69: {  	_ =	shalt  }
0x6a: {  	_ =	shalt  }
0x6b: {  	_ =	shalt  }
0x6c: {  	_ =	shalt  }
0x6d: {  	_ =	shalt  }
0x6e: {  	_ =	shalt  }
0x6f: {  	_ =	shalt  }
0x70: {  	_ =	shalt  }
0x71: {  	_ =	shalt  }
0x72: {  	_ =	shalt  }
0x73: {  	_ =	shalt  }
0x74: {  	_ =	shalt  }
0x75: {  	_ =	shalt  }
0x76: {  	_ =	shalt  }
0x77: {  	_ =	shalt  }
0x78: {  	_ =	shalt  }
0x79: {  	_ =	shalt  }
0x7a: {  	_ =	shalt  }
0x7b: {  	_ =	shalt  }
0x7c: {  	_ =	shalt  }
0x7d: {  	_ =	shalt  }
0x7e: {  	_ =	shalt  }
0x7f: {  	_ =	shalt  }
0x80: {  	_ =	shalt  }
0x81: {  	_ =	shalt  }
0x82: {  	_ =	shalt  }
0x83: {  	_ =	shalt  }
0x84: {  	_ =	shalt  }
0x85: {  	_ =	shalt  }
0x86: {  	_ =	shalt  }
0x87: {  	_ =	shalt  }
.Lfunc_end0:
.L_simem_size_0:
called_computation_lowered:
.L_overlay_start_0:
0x88: {  	s2 =	sld [smem:$0x3FD9]  }
0x89: {  	s3 =	sld [smem:$0x3FFE];
	_ =	sdelay $0x1  }
0x8a: {  	s1 =	srdreg.scid  }
0x8b: {  	s0 =	sand.u32 $0x1, s1  }
0x8c: {  	s17 =	sshll.u32 s0, $0xA;
	s2 =	sadd.s32 s3, s2  }
0x8d: {  	s2 =	sadd.s32 s2, s17  }
0x8e: {  	[smem:$0x3FC6] =	sst s2  }
0x8f: {  	_ = 	snop  }
0x90: {  	s2 =	sld [smem:$0x3FC8]  }
0x91: {  	s18 =	sld [smem:$0x3FD0];
	(tm) =	ssettm $0x1  }
0x92: {  	s4 =	sld [smem:$0x3FFB];
	_ =	sdelay $0x3  }
0x93: {  	_ =	strace s4  }
0x94: {  	s4 =	sld [smem:$0x3FFC];
	_ =	sdelay $0x3  }
0x95: {  	_ =	strace s4  }
0x96: {  	s4 =	sld [smem:$0x3FFD];
	_ =	sdelay $0x3  }
0x97: {  	_ =	strace s4  }
0x98: {  	_ =	strace $0x8FFFFFFF  }
0x99: {  	s19 =	sld [smem:$0x3FDB];
	_ =	sdelay $0x1  }
0x9a: {  	s5 =	simm.s32 $_scs_section_size  }
0x9b: {  	s6 =	simm.s32 $_size__tile_overlayer_lowered;
	s7 =	simm.s32 $_tile_overlayer_lowered  }
0x9c: {  	s22 =	simm.s32 $0x1BFF;
	s21 =	sshll.u32 s7, $0x1;
	s4 =	sadd.s32 s5, s19  }
0x9d: {  	s8 =	simm.s32 $0x0;
	s20 =	sshll.u32 s6, $0x1;
	s6 =	sadd.s32 s21, s4  }
0x9e: {  	[timem:s8], [sflag:s22] =	dma.local [hbm:s6], s20  }
0x9f: {  	_ =	swait.ge [sflag:s22], s20  }
0xa0: {  	s5 =	ssub.s32 $0x0, s20;
	[sflag:s22] =	ssyncset.done $0x0  }
0xa1: {  	[sflag:s22] =	ssyncadd.s32 s5;
	_ =	sdelay $0x1  }
0xa2: {  	s23 =	simm.s32 $0x1B8B  }
0xa3: {  	_ =	swait.ge [sflag:s23], $0x1  }
0xa4: {  	[sflag:s23] =	ssyncset.done $0x0  }
0xa5: {  	s25 =	simm.s32 $0x1B8E;
	s24 =	sld [smem:$0x3FFE];
	[sflag:s23] =	ssyncadd.s32 $0xFFFFFFFF  }
0xa6: {  	s26 =	simm.s32 $execute0_lowered;
	[smem:$0x3FD2] =	sst s25  }
0xa7: {  	s6 =	sshll.u32 s26, $0x1;
	_ =	strace $0x80000046;
	[dreg:$0x1] =	wrdreg $0xFFFFFFFF  }
0xa8: {  	s28 =	simm.s32 $_size_execute0_lowered;
	s4 =	sadd.s32 s4, s6;
	[dreg:$0x0] =	wrdreg $0x0  }
0xa9: {  	s6 =	sshll.u32 s28, $0x1;
	[dreg:$0x2] =	wrdreg s4  }
0xaa: {  	[dreg:$0x3] =	wrdreg s6  }
0xab: {  	[dreg:$0x4] =	wrdreg $0xC0  }
0xac: {  	_ =	task [dreg:s8], $0x5FFFF  }
0xad: {  	[dreg:$0x1] =	wrdreg $0xFFFFFFFF  }
0xae: {  	[dreg:$0x0] =	wrdreg $0x60  }
0xaf: {  	[dreg:$0x2] =	wrdreg s24  }
0xb0: {  	[dreg:$0x3] =	wrdreg s2  }
0xb1: {  	[dreg:$0x4] =	wrdreg s18  }
0xb2: {  	[dreg:$0x5] =	wrdreg $0x9  }
0xb3: {  	_ =	task.clear_ibuf [dreg:s8], $0x6FFFF;
	_ =	strace $0x90000046  }
0xb4: {  	s29 =	simm.s32 $0x9;
	_ =	strace $0x80000048  }
0xb5: {  	_ =	swait.ge [sflag:s29], $0x1  }
0xb6: {  	[sflag:s29] =	ssyncadd.s32 $0xFFFFFFFF  }
0xb7: {  	_ =	strace $0x90000048  }
0xb8: {  	_ =	sfence  }
0xb9: {  	s30 =	sld [smem:$0x0];
	_ =	sdelay $0x2  }
0xba: {  	s31 =	sshll.u32 s1, $0xD;
	s1 =	sshrl.u32 s1, $0x2  }
0xbb: {  	s3 =	sand.u32 $0x4000, s31;
	s1 =	sadd.s32 s1, s30  }
0xbc: {  	s0 =	sor.u32 s3, s0;
	s1 =	sshll.u32 s1, $0x11  }
0xbd: {  	s0 =	sor.u32 s1, s0  }
0xbe: {  	s0 =	sadd.s32 $0x8F2B, s0  }
0xbf: {  	[sflag:s0] =	ssyncadd.remote.s32 $0x1  }
0xc0: {  	_ =	sfence.sel $0xFFFF  }
0xc1: {  	[dreg:$0x0] =	wrdreg $0xFFFFFFFF;
	(pc) =	sbr.abs _section_cstart, $3  }
0xc2: {  	[dreg:$0x1] =	wrdreg $0xFFFFFFFF  }
0xc3: {  	_ =	task.clear_ibuf [dreg:s8], $0x2FFFF;
	_ =	strace $0x9FFFFFFF  }
0xc4: {  	(tm) =	ssettm $0x7FFFFFFF  }
0xc5: {  	_ =	shalt  }
tec
execute0_lowered:
.L_overlay_start_1:
0x0: {  	(tag) =	ssettag $0x1  }
0x1: {  	s4 =	rddreg [dreg:$0x0]  }
0x2: {  	s2 =	rddreg [dreg:$0x1];
	s1 =	srdreg.scid  }
0x3: {  	s0 =	stileid.u32;
	s5 =	rddreg [dreg:$0x2];
	s3 =	simm.s32 $0x0  }
0x4: {  	s14 =	simm.s32 $0xE400;
	s16 =	simm.s32 $0x12400;
	s17 =	simm.s32 $0x200  }
0x5: {  	s18 =	simm.s32 $0x16400;
	s19 =	simm.s32 $0x1;
	s20 =	simm.s32 $0x3  }
0x6: {  	s21 =	simm.s32 $0x5;
	s22 =	simm.s32 $0x6;
	s23 =	simm.s32 $0x7  }
0x7: {  	s24 =	simm.s32 $0x8;
	s25 =	simm.s32 $0x9;
	s28 =	simm.s32 $0x0  }
0x8: {  	s6 =	sand.u32 $0x1, s1;
	s7 =	sshll.u32 s0, $0x1;
	s11 =	smul.u32 $0xC8000, s0  }
0x9: {  	[smem:$0x7FF] =	sst s3;
	s7 =	sor.u32 s6, s7;
	s29 =	smul.u32 $0x64000, s6  }
0xa: {  	_ =	strace $0x80000047;
	s9 =	ssub.s32 $0x2, s6;
	s8 =	smul.u32 $0x6400, s7  }
0xb: {  	s7 =	smul.u32 $0x64000, s7;
	s10 =	sshrl.u32 s9, $0x1;
	s30 =	sadd.s32 s11, s5  }
.Ltmp0:
0xc: {  	s11 =	simm.s32 $0x6400;
	s26 =	ssub.s32 s9, s10;
	(pc) =	sbr.rel .LBB2_1-.Ltmp0, $4  }
0xd: {  	s31 =	sadd.s32 s29, s30;
	s9 =	simm.s32 $0xB;
	s10 =	simm.s32 $0x80  }
0xe: {  	s8 =	sshrl.u32 s8, $0x3;
	s7 =	sadd.s32 s5, s7;
	s5 =	smax.u32 s26, $0x1  }
0xf: {  	s26 =	simm.s32 $0xA;
	s4 =	sadd.s32 s8, s4;
	s6 =	sadd.s32 $0x62000, s7  }
0x10: {  	s7 =	sadd.s32 $0x63000, s7;
	s8 =	sadd.s32 $0x2000, s31;
	s4 =	sadd.s32 $0x400, s4  }
.LBB2_4:
0x11: {  	_ =	swait.ge [sflag:s22], $0x4000  }
0x12: {  	[sflag:s22] =	ssyncset.done $0x0  }
0x13: {  	[sflag:s22] =	ssyncadd.s32 $0xFFFFC000  }
0x14: {  	_ =	swait.ge [sflag:s23], $0x4000  }
0x15: {  	[sflag:s23] =	ssyncset.done $0x0  }
0x16: {  	[sflag:s23] =	ssyncadd.s32 $0xFFFFC000  }
0x17: {  	_ =	swait.ge [sflag:s24], $0x4000  }
0x18: {  	[sflag:s24] =	ssyncset.done $0x0  }
0x19: {  	s28 =	sadd.s32 $0x1, s28;
	[sflag:s24] =	ssyncadd.s32 $0xFFFFC000  }
0x1a: {  	p0 =	sne.s32 s28, s5;
	_ =	swait.ge [sflag:s25], $0x4000  }
.Ltmp1:
0x1b: {  	[sflag:s25] =	ssyncset.done $0x0;
	(pc) =	sbr.rel @!p0 .LBB2_5-.Ltmp1, $4  }
0x1c: {  	[sflag:s25] =	ssyncadd.s32 $0xFFFFC000  }
0x1d: {  	_ =	swait.ge [sflag:s26], $0x4000  }
0x1e: {  	[sflag:s26] =	ssyncset.done $0x0  }
0x1f: {  	[sflag:s26] =	ssyncadd.s32 $0xFFFFC000  }
.LBB2_1:
0x20: {  	[tilespmem:s3], [sflag:$0xB] =	stream.linear.gather [hbm4b:s4+s3], $0x6400, $0x38;
	[tilespmem:$0x1A400] =	vst v63  }
0x21: {  	_ =	swait.ge [sflag:s9], $0x6400  }
0x22: {  	[sflag:s9] =	ssyncset.done $0x0  }
0x23: {  	[sflag:s9] =	ssyncadd.s32 $0xFFFF9C00  }
0x24: {  	[tilespmem:s11], [sflag:$0x1] =	stream.indirect.gather [hbm4b:s2+s10], $0x80, s3, s10, $0xb8;
	[tilespmem:$0x1A400] =	vst v63  }
0x25: {  	s0 =	simm.s32 $0xA400  }
0x26: {  	[tilespmem:s0], [sflag:$0x2] =	stream.indirect.gather [hbm4b:s2+s10], $0x80, s10, s10, $0xb8;
	[tilespmem:$0x1A400] =	vst v63  }
0x27: {  	s15 =	simm.s32 $0x100  }
0x28: {  	[tilespmem:s14], [sflag:$0x3] =	stream.indirect.gather [hbm4b:s2+s10], $0x80, s15, s10, $0xb8;
	[tilespmem:$0x1A400] =	vst v63  }
0x29: {  	s31 =	simm.s32 $0x180  }
0x2a: {  	[tilespmem:s16], [sflag:$0x4] =	stream.indirect.gather [hbm4b:s2+s10], $0x80, s31, s10, $0xb8;
	[tilespmem:$0x1A400] =	vst v63  }
0x2b: {  	s29 =	smov.u32 s8;
	s30 =	simm.s32 $0x0  }
0x2c: {  	[tilespmem:s18], [sflag:$0x5] =	stream.indirect.gather [hbm4b:s2+s10], $0x80, s17, s10, $0xb8;
	[tilespmem:$0x1A400] =	vst v63  }
.LBB2_2:
0x2d: {  	_ =	swait.ge [sflag:s19], $0x4000  }
0x2e: {  	[sflag:s19] =	ssyncset.done $0x0  }
0x2f: {  	s31 =	sadd.s32 $0xFFFFE000, s29;
	p0 =	seq.s32 s30, $0x18600;
	[sflag:s19] =	ssyncadd.s32 $0xFFFFC000  }
0x30: {  	[hbm4b:s31+s3] =	stream.linear.scatter [tilespmem:s11], [sflag:$0x6], $0x4000, $0x38;
	[tilespmem:$0x1A400] =	vst v63  }
0x31: {  	s31 =	simm.s32 @p0 $0x2  }
0x32: {  	_ =	swait.ge @p0 [sflag:s31], $0x4000  }
0x33: {  	[sflag:s31] =	ssyncset.done @p0 $0x0  }
0x34: {  	s1 =	simm.s32 @p0 $0xA400;
	[sflag:s31] =	ssyncadd.s32 @p0 $0xFFFFC000;
	s31 =	simm.s32 @p0 $0x0  }
0x35: {  	[hbm4b:s6+s31] =	stream.linear.scatter @p0 [tilespmem:s1], [sflag:$0x7], $0x4000, $0x38;
	[tilespmem:$0x1A400] =	vst v63  }
0x36: {  	s1 =	simm.s32 @!p0 $0x6  }
0x37: {  	_ =	swait.ge @!p0 [sflag:s1], $0x4000  }
0x38: {  	[sflag:s1] =	ssyncset.done @!p0 $0x0  }
0x39: {  	[sflag:s1] =	ssyncadd.s32 @!p0 $0xFFFFC000;
	s1 =	sshra.s32 @!p0 s30, $0x2  }
0x3a: {  	s12 =	simm.s32 @!p0 $0x80;
	s13 =	simm.s32 @!p0 $0x6400;
	s0 =	sadd.s32 @!p0 $0x280, s1  }
0x3b: {  	[tilespmem:s13], [sflag:$0x1] =	stream.indirect.gather @!p0 [hbm4b:s2+s12], $0x80, s0, s12, $0xb8;
	[tilespmem:$0x1A400] =	vst v63  }
0x3c: {  	s0 =	simm.s32 @!p0 $0x2  }
0x3d: {  	_ =	swait.ge @!p0 [sflag:s0], $0x4000  }
0x3e: {  	s15 =	simm.s32 @!p0 $0xA400;
	[sflag:s0] =	ssyncset.done @!p0 $0x0  }
0x3f: {  	s13 =	simm.s32 @!p0 $0x0;
	[sflag:s0] =	ssyncadd.s32 @!p0 $0xFFFFC000;
	s0 =	sadd.s32 @!p0 $0xFFFFE800, s29  }
0x40: {  	[hbm4b:s0+s13] =	stream.linear.scatter @!p0 [tilespmem:s15], [sflag:$0x7], $0x4000, $0x38;
	[tilespmem:$0x1A400] =	vst v63  }
0x41: {  	s0 =	simm.s32 @!p0 $0x7  }
0x42: {  	_ =	swait.ge @!p0 [sflag:s0], $0x4000  }
0x43: {  	[sflag:s0] =	ssyncset.done @!p0 $0x0  }
0x44: {  	[sflag:s0] =	ssyncadd.s32 @!p0 $0xFFFFC000;
	s0 =	sadd.s32 @!p0 $0x300, s1  }
0x45: {  	[tilespmem:s15], [sflag:$0x2] =	stream.indirect.gather @!p0 [hbm4b:s2+s12], $0x80, s0, s12, $0xb8;
	[tilespmem:$0x1A400] =	vst v63  }
0x46: {  	_ =	swait.ge [sflag:s20], $0x4000  }
0x47: {  	[sflag:s20] =	ssyncset.done $0x0  }
0x48: {  	s15 =	sadd.s32 $0xFFFFF000, s29;
	s0 =	simm.s32 @p0 $0x4;
	[sflag:s20] =	ssyncadd.s32 $0xFFFFC000  }
0x49: {  	[hbm4b:s15+s3] =	stream.linear.scatter [tilespmem:s14], [sflag:$0x8], $0x4000, $0x38;
	[tilespmem:$0x1A400] =	vst v63  }
0x4a: {  	_ =	swait.ge @p0 [sflag:s0], $0x4000  }
0x4b: {  	[sflag:s0] =	ssyncset.done @p0 $0x0  }
0x4c: {  	[sflag:s0] =	ssyncadd.s32 @p0 $0xFFFFC000;
	s0 =	simm.s32 @p0 $0x12400  }
0x4d: {  	[hbm4b:s7+s31] =	stream.linear.scatter @p0 [tilespmem:s0], [sflag:$0x9], $0x4000, $0x38;
	[tilespmem:$0x1A400] =	vst v63  }
0x4e: {  	s0 =	simm.s32 @!p0 $0x8  }
0x4f: {  	_ =	swait.ge @!p0 [sflag:s0], $0x4000  }
0x50: {  	[sflag:s0] =	ssyncset.done @!p0 $0x0  }
0x51: {  	s15 =	simm.s32 @!p0 $0xE400;
	[sflag:s0] =	ssyncadd.s32 @!p0 $0xFFFFC000;
	s0 =	sadd.s32 @!p0 $0x380, s1  }
0x52: {  	[tilespmem:s15], [sflag:$0x3] =	stream.indirect.gather @!p0 [hbm4b:s2+s12], $0x80, s0, s12, $0xb8;
	[tilespmem:$0x1A400] =	vst v63  }
0x53: {  	s0 =	simm.s32 @!p0 $0x4  }
0x54: {  	_ =	swait.ge @!p0 [sflag:s0], $0x4000  }
0x55: {  	[sflag:s0] =	ssyncset.done @!p0 $0x0  }
0x56: {  	s15 =	simm.s32 @!p0 $0x12400;
	[sflag:s0] =	ssyncadd.s32 @!p0 $0xFFFFC000;
	s0 =	sadd.s32 @!p0 $0xFFFFF800, s29  }
0x57: {  	[hbm4b:s0+s13] =	stream.linear.scatter @!p0 [tilespmem:s15], [sflag:$0x9], $0x4000, $0x38;
	[tilespmem:$0x1A400] =	vst v63  }
0x58: {  	s0 =	simm.s32 @!p0 $0x9  }
0x59: {  	_ =	swait.ge @!p0 [sflag:s0], $0x4000  }
0x5a: {  	[sflag:s0] =	ssyncset.done @!p0 $0x0  }
0x5b: {  	[sflag:s0] =	ssyncadd.s32 @!p0 $0xFFFFC000;
	s0 =	sadd.s32 @!p0 $0x400, s1  }
0x5c: {  	[tilespmem:s15], [sflag:$0x4] =	stream.indirect.gather @!p0 [hbm4b:s2+s12], $0x80, s0, s12, $0xb8;
	[tilespmem:$0x1A400] =	vst v63  }
.Ltmp2:
0x5d: {  	_ = 	snop;
	(pc) =	sbr.rel @p0 .LBB2_4-.Ltmp2, $4  }
0x5e: {  	_ =	swait.ge [sflag:s21], $0x4000  }
0x5f: {  	[sflag:s21] =	ssyncset.done $0x0  }
0x60: {  	[sflag:s21] =	ssyncadd.s32 $0xFFFFC000  }
0x61: {  	[hbm4b:s29+s3] =	stream.linear.scatter [tilespmem:s18], [sflag:$0xA], $0x4000, $0x38;
	[tilespmem:$0x1A400] =	vst v63  }
.Ltmp3:
0x62: {  	(pc) =	sbr.rel .LBB2_2-.Ltmp3, $4  }
0x63: {  	_ =	swait.ge [sflag:s26], $0x4000  }
0x64: {  	s0 =	sshra.s32 s30, $0x2;
	s30 =	sadd.s32 $0xA00, s30;
	[sflag:s26] =	ssyncset.done $0x0  }
0x65: {  	s29 =	sadd.s32 $0x2800, s29;
	s0 =	sadd.s32 $0x480, s0;
	[sflag:s26] =	ssyncadd.s32 $0xFFFFC000  }
0x66: {  	[tilespmem:s18], [sflag:$0x5] =	stream.indirect.gather [hbm4b:s2+s10], $0x80, s0, s10, $0xb8;
	[tilespmem:$0x1A400] =	vst v63  }
.LBB2_5:
0x67: {  	_ =	sfence.sel $0x180000  }
0x68: {  	[bflag:$0x0] =	sbarrier.arrive $0xFFFF  }
0x69: {  	_ =	strace $0x90000047  }
0x6a: {  	s0 =	stileid.u32;
	[bflag:$0x2] =	sbarrier.arrive $0xFFFF  }
0x6b: {  	p0 =	sne.s32 s0, $0x0;
	s0 =	rddreg [dreg:$0x3]  }
0x6c: {  	s0 =	sadd.s32 @!p0 $0x100000, s0  }
0x6d: {  	[sflag:s0] =	ssyncadd.tile.s32 @!p0 $0x1;
	_ =	shalt  }
.Lfunc_end2:
_tile_overlayer_lowered:
.L_overlay_start_2:
0x6e: {  	(tag) =	ssettag $0x2  }
0x6f: {  	s0 =	rddreg [dreg:$0x0];
	s2 =	stileid.u32  }
0x70: {  	s1 =	rddreg [dreg:$0x1];
	p0 =	sne.s32 s2, $0x0  }
0x71: {  	s3 =	rddreg [dreg:$0x2];
	[bflag:$0x3] =	sbarrier.arrive $0xFFFF;
	s2 =	simm.s32 @!p0 $0x1C0B  }
0x72: {  	[timem:s3], [sflag:s2] =	dma.local @!p0 [hbm:s0], s1  }
0x73: {  	s0 =	simm.s32 @!p0 $0xB  }
0x74: {  	_ =	swait.ge @!p0 [sflag:s0], s1  }
0x75: {  	s1 =	ssub.s32 @!p0 $0x0, s1;
	[sflag:s0] =	ssyncset.done @!p0 $0x0  }
0x76: {  	[sflag:s0] =	ssyncadd.s32 @!p0 s1  }
0x77: {  	[bflag:$0x3] =	sbarrier.arrive $0xFFFF  }
0x78: {  	_ =	shalt  }

</sc_bundles>
